<compile_context>
chip_gen: v7x
topology: tpu7x:2x2x1
jax: 0.10.2.dev20260603
libtpu: 0.0.44.dev20260713+nightly
codegen_flags: <defaults>
</compile_context>

<pallas_src>
import functools

import jax
import jax.numpy as jnp
from jax import lax
from jax.experimental import pallas as pl
from jax.experimental.pallas import tpu as pltpu
from jax.experimental.pallas import tpu_sc as plsc

NC = 1
NS = 16
L = 16
NW = NC * NS


def _sc_partials_body(n_per_w, c_hbm, t_hbm, co_hbm, w_hbm, V_hbm, U_hbm,
                      vb_hbm, ub_hbm, out_hbm,
                      cidx, tidx, vrows, urows, vbv, ubv, cov, wv, pvec,
                      sem, semi, semg0, semg1, semg2, semg3):
    semg = [semg0, semg1, semg2, semg3]
    wid = lax.axis_index("s") * NC + lax.axis_index("c")
    base = wid * n_per_w

    cps = [
        pltpu.async_copy(co_hbm.at[pl.ds(base, n_per_w)], cov, sem),
        pltpu.async_copy(w_hbm.at[pl.ds(base, n_per_w)], wv, sem),
    ]
    ci = pltpu.async_copy(c_hbm.at[pl.ds(base, n_per_w)], cidx, semi)
    ti = pltpu.async_copy(t_hbm.at[pl.ds(base, n_per_w)], tidx, semi)
    ci.wait()
    ti.wait()
    ngrp = n_per_w // L
    grp = []
    for g in range(ngrp):
        sl = pl.ds(g * L, L)
        grp.append((
            pltpu.async_copy(V_hbm.at[cidx.at[sl]], vrows.at[sl], semg[g]),
            pltpu.async_copy(U_hbm.at[tidx.at[sl]], urows.at[sl], semg[g]),
        ))
    cps += [
        pltpu.async_copy(vb_hbm.at[cidx], vbv, sem),
        pltpu.async_copy(ub_hbm.at[tidx], ubv, sem),
    ]
    for cp in cps:
        cp.wait()

    io = lax.iota(jnp.int32, L)
    vs1 = jnp.zeros((L,), jnp.float32)
    vs2 = jnp.zeros((L,), jnp.float32)
    vs3 = jnp.zeros((L,), jnp.float32)
    vt1 = jnp.zeros((L,), jnp.float32)
    vt2 = jnp.zeros((L,), jnp.float32)
    for g in range(ngrp):
        for cp in grp[g]:
            cp.wait()
        def _row(jj, dots):
            j = g * L + jj

            def _chunk(k, acc):
                return acc + vrows[j, pl.ds(k * L, L)] * urows[j, pl.ds(k * L, L)]

            acc = lax.fori_loop(1, 128 // L, _chunk,
                                vrows[j, pl.ds(0, L)] * urows[j, pl.ds(0, L)])
            return jnp.where(io == jj, jnp.sum(acc), dots)
        dots = lax.fori_loop(0, L, _row, jnp.zeros((L,), jnp.float32))
        sl = pl.ds(g * L, L)
        a = dots - cov[sl]
        wg = wv[sl]
        b = vbv[sl] + ubv[sl]
        vs1 = vs1 + wg * a * a
        vs2 = vs2 + wg * a
        vs3 = vs3 + wg
        vt1 = vt1 + b
        vt2 = vt2 + b * b

    pvec[0, :] = vs1
    pvec[1, :] = vs2
    pvec[2, :] = vs3
    pvec[3, :] = vt1
    pvec[4, :] = vt2
    pltpu.sync_copy(pvec, out_hbm.at[wid])


def _combine_body(nb, p_ref, o_ref):
    p = p_ref[:, :, :]
    s1 = jnp.sum(p[:, 0, :])
    s2 = jnp.sum(p[:, 1, :])
    s3 = jnp.sum(p[:, 2, :])
    t1 = jnp.sum(p[:, 3, :])
    t2 = jnp.sum(p[:, 4, :])
    o_ref[0, 0] = nb * s1 + 2.0 * s2 * t1 + s3 * t2


def kernel(center_words, target_words, coocs, weights, V, U, Vb, Ub):
    b_total = center_words.shape[0]
    n_per_w = b_total // NW
    c = center_words.reshape(b_total).astype(jnp.int32)
    t = target_words.reshape(b_total).astype(jnp.int32)
    co = coocs.reshape(b_total)
    w = weights.reshape(b_total)
    vb = Vb.reshape(Vb.shape[0])
    ub = Ub.reshape(Ub.shape[0])

    mesh = plsc.VectorSubcoreMesh(core_axis_name="c", subcore_axis_name="s",
                                  num_cores=NC)
    sc_call = pl.kernel(
        functools.partial(_sc_partials_body, n_per_w),
        out_type=jax.ShapeDtypeStruct((NW, 5, L), jnp.float32),
        mesh=mesh,
        compiler_params=pltpu.CompilerParams(needs_layout_passes=False),
        scratch_types=[
            pltpu.VMEM((n_per_w,), jnp.int32),
            pltpu.VMEM((n_per_w,), jnp.int32),
            pltpu.VMEM((n_per_w, 128), jnp.float32),
            pltpu.VMEM((n_per_w, 128), jnp.float32),
            pltpu.VMEM((n_per_w,), jnp.float32),
            pltpu.VMEM((n_per_w,), jnp.float32),
            pltpu.VMEM((n_per_w,), jnp.float32),
            pltpu.VMEM((n_per_w,), jnp.float32),
            pltpu.VMEM((5, L), jnp.float32),
            pltpu.SemaphoreType.DMA,
            pltpu.SemaphoreType.DMA,
            pltpu.SemaphoreType.DMA,
            pltpu.SemaphoreType.DMA,
            pltpu.SemaphoreType.DMA,
            pltpu.SemaphoreType.DMA,
        ],
    )
    partials = sc_call(c, t, co, w, V, U, vb, ub)

    loss = pl.pallas_call(
        functools.partial(_combine_body, float(b_total)),
        out_shape=jax.ShapeDtypeStruct((1, 1), jnp.float32),
        out_specs=pl.BlockSpec(memory_space=pltpu.SMEM),
    )(partials)
    return loss[0, 0]

# --- scband reference (transcript-rebuilt; emitter-appended) ---
"""Pipeline reference for scband-glo-ve-33852932227841 (READ-ONLY COPY).

The authoritative reference and input builder live on the scoring server;
editing this copy changes nothing except your own understanding.
"""

import jax, jax.numpy as jnp
import numpy as np

VOCAB = 100000
DIM = 128
B = 1024

def _xavier(key, shape):
    # torch nn.init.xavier_uniform_ on a 2D tensor [fan_out, fan_in]
    bound = float(np.sqrt(6.0 / (shape[0] + shape[1])))
    return jax.random.uniform(key, shape, minval=-bound, maxval=bound, dtype=jnp.float32)

def setup_inputs(seed: int = 0):
    key = jax.random.key(seed)
    ks = jax.random.split(key, 8)
    center_words = jax.random.randint(ks[0], (B, 1), 0, VOCAB)
    target_words = jax.random.randint(ks[1], (B, 1), 0, VOCAB)
    coocs = jax.random.uniform(ks[2], (B, 1), dtype=jnp.float32)
    weights = jax.random.uniform(ks[3], (B, 1), dtype=jnp.float32)
    V = _xavier(ks[4], (VOCAB, DIM))
    U = _xavier(ks[5], (VOCAB, DIM))
    Vb = _xavier(ks[6], (VOCAB, 1))
    Ub = _xavier(ks[7], (VOCAB, 1))
    return {"center_words": center_words, "target_words": target_words,
            "coocs": coocs, "weights": weights,
            "V": V, "U": U, "Vb": Vb, "Ub": Ub}

def reference(center_words, target_words, coocs, weights, V, U, Vb, Ub):
    center_emb = jnp.take(V, center_words, axis=0)   # [B, 1, D]
    target_emb = jnp.take(U, target_words, axis=0)   # [B, 1, D]
    center_b = jnp.take(Vb, center_words, axis=0)    # [B, 1, 1]
    target_b = jnp.take(Ub, target_words, axis=0)    # [B, 1, 1]
    # bmm(target_emb, center_emb.transpose(1, 2)).squeeze(2) -> [B, 1]
    left = jnp.squeeze(jnp.matmul(target_emb, jnp.swapaxes(center_emb, 1, 2)), axis=2)
    # NOTE: faithful to torch broadcasting: (B,1) + (B,1,1) broadcasts to (B,B,1)
    loss = weights * jnp.power(left + center_b + target_b - coocs, 2)
    return jnp.sum(loss)

if __name__ == "__main__":
    import jax
    _d = setup_inputs()
    print(jax.jit(kernel)(*tuple(_d.values())))

</pallas_src>

<mosaic_0001>
#map = affine_map<(d0, d1) -> (0)>
#map1 = affine_map<(d0, d1) -> (0, 0)>
#map2 = affine_map<(d0, d1) -> (0, 0, 0)>
module attributes {stable_mosaic.version = 14 : i64} {
  func.func @_sc_partials_body(%arg0: i32, %arg1: i32, %arg2: memref<1024xi32, #tpu.memory_space<hbm>>, %arg3: memref<1024xi32, #tpu.memory_space<hbm>>, %arg4: memref<1024xf32, #tpu.memory_space<hbm>>, %arg5: memref<1024xf32, #tpu.memory_space<hbm>>, %arg6: memref<100000x128xf32, #tpu.memory_space<hbm>>, %arg7: memref<100000x128xf32, #tpu.memory_space<hbm>>, %arg8: memref<100000xf32, #tpu.memory_space<hbm>>, %arg9: memref<100000xf32, #tpu.memory_space<hbm>>, %arg10: memref<16x5x16xf32, #tpu.memory_space<hbm>>, %arg11: memref<64xi32, #tpu.memory_space<vmem>>, %arg12: memref<64xi32, #tpu.memory_space<vmem>>, %arg13: memref<64x128xf32, #tpu.memory_space<vmem>>, %arg14: memref<64x128xf32, #tpu.memory_space<vmem>>, %arg15: memref<64xf32, #tpu.memory_space<vmem>>, %arg16: memref<64xf32, #tpu.memory_space<vmem>>, %arg17: memref<64xf32, #tpu.memory_space<vmem>>, %arg18: memref<64xf32, #tpu.memory_space<vmem>>, %arg19: memref<5x16xf32, #tpu.memory_space<vmem>>, %arg20: memref<!tpu.dma_semaphore, #tpu.memory_space<semaphore_mem>>, %arg21: memref<!tpu.dma_semaphore, #tpu.memory_space<semaphore_mem>>, %arg22: memref<!tpu.dma_semaphore, #tpu.memory_space<semaphore_mem>>, %arg23: memref<!tpu.dma_semaphore, #tpu.memory_space<semaphore_mem>>, %arg24: memref<!tpu.dma_semaphore, #tpu.memory_space<semaphore_mem>>, %arg25: memref<!tpu.dma_semaphore, #tpu.memory_space<semaphore_mem>>) attributes {dimension_semantics = [#tpu.dimension_semantics<core_parallel>, #tpu.dimension_semantics<subcore_parallel>], iteration_bounds = array<i64: 1, 16>, scalar_prefetch = 0 : i64, scratch_operands = 15 : i64, tpu.core_type = #tpu.core_type<sc_vector_subcore>, window_params = [{transform_indices = #map}, {transform_indices = #map}, {transform_indices = #map}, {transform_indices = #map}, {transform_indices = #map1}, {transform_indices = #map1}, {transform_indices = #map}, {transform_indices = #map}, {transform_indices = #map2}]} {
    %mul3A = arith.constant 1 : i32
    %mul3A_0 = arith.muli %arg1, %mul3A : i32
    %add3A = arith.addi %mul3A_0, %arg0 : i32
    %mul3A_1 = arith.constant 64 : i32
    %mul3A_2 = arith.muli %add3A, %mul3A_1 : i32
    %dma_start3A = tpu.memref_slice %arg4[%mul3A_2] : memref<1024xf32, #tpu.memory_space<hbm>> -> memref<64xf32, #tpu.memory_space<hbm>>
    %dma_start3A_3 = tpu.memref_slice %arg4[%mul3A_2] : memref<1024xf32, #tpu.memory_space<hbm>> -> memref<64xf32, #tpu.memory_space<hbm>>
    tpu.enqueue_dma source(%dma_start3A_3 : memref<64xf32, #tpu.memory_space<hbm>>) target(%arg17 : memref<64xf32, #tpu.memory_space<vmem>>) target_semaphore(%arg20 : memref<!tpu.dma_semaphore, #tpu.memory_space<semaphore_mem>>)
    %dma_start3A_4 = tpu.memref_slice %arg5[%mul3A_2] : memref<1024xf32, #tpu.memory_space<hbm>> -> memref<64xf32, #tpu.memory_space<hbm>>
    %dma_start3A_5 = tpu.memref_slice %arg5[%mul3A_2] : memref<1024xf32, #tpu.memory_space<hbm>> -> memref<64xf32, #tpu.memory_space<hbm>>
    tpu.enqueue_dma source(%dma_start3A_5 : memref<64xf32, #tpu.memory_space<hbm>>) target(%arg18 : memref<64xf32, #tpu.memory_space<vmem>>) target_semaphore(%arg20 : memref<!tpu.dma_semaphore, #tpu.memory_space<semaphore_mem>>)
    %dma_start3A_6 = tpu.memref_slice %arg2[%mul3A_2] : memref<1024xi32, #tpu.memory_space<hbm>> -> memref<64xi32, #tpu.memory_space<hbm>>
    %dma_start3A_7 = tpu.memref_slice %arg2[%mul3A_2] : memref<1024xi32, #tpu.memory_space<hbm>> -> memref<64xi32, #tpu.memory_space<hbm>>
    tpu.enqueue_dma source(%dma_start3A_7 : memref<64xi32, #tpu.memory_space<hbm>>) target(%arg11 : memref<64xi32, #tpu.memory_space<vmem>>) target_semaphore(%arg21 : memref<!tpu.dma_semaphore, #tpu.memory_space<semaphore_mem>>)
    %dma_start3A_8 = tpu.memref_slice %arg3[%mul3A_2] : memref<1024xi32, #tpu.memory_space<hbm>> -> memref<64xi32, #tpu.memory_space<hbm>>
    %dma_start3A_9 = tpu.memref_slice %arg3[%mul3A_2] : memref<1024xi32, #tpu.memory_space<hbm>> -> memref<64xi32, #tpu.memory_space<hbm>>
    tpu.enqueue_dma source(%dma_start3A_9 : memref<64xi32, #tpu.memory_space<hbm>>) target(%arg12 : memref<64xi32, #tpu.memory_space<vmem>>) target_semaphore(%arg21 : memref<!tpu.dma_semaphore, #tpu.memory_space<semaphore_mem>>)
    %dma_wait3A = tpu.memref_slice %arg2[%mul3A_2] : memref<1024xi32, #tpu.memory_space<hbm>> -> memref<64xi32, #tpu.memory_space<hbm>>
    %dma_wait3A_10 = tpu.memref_slice %arg2[%mul3A_2] : memref<1024xi32, #tpu.memory_space<hbm>> -> memref<64xi32, #tpu.memory_space<hbm>>
    tpu.wait_dma2 semaphore(%arg21 : memref<!tpu.dma_semaphore, #tpu.memory_space<semaphore_mem>>) src(%dma_wait3A_10 : memref<64xi32, #tpu.memory_space<hbm>>) dst(%arg11 : memref<64xi32, #tpu.memory_space<vmem>>)
    %dma_wait3A_11 = tpu.memref_slice %arg3[%mul3A_2] : memref<1024xi32, #tpu.memory_space<hbm>> -> memref<64xi32, #tpu.memory_space<hbm>>
    %dma_wait3A_12 = tpu.memref_slice %arg3[%mul3A_2] : memref<1024xi32, #tpu.memory_space<hbm>> -> memref<64xi32, #tpu.memory_space<hbm>>
    tpu.wait_dma2 semaphore(%arg21 : memref<!tpu.dma_semaphore, #tpu.memory_space<semaphore_mem>>) src(%dma_wait3A_12 : memref<64xi32, #tpu.memory_space<hbm>>) dst(%arg12 : memref<64xi32, #tpu.memory_space<vmem>>)
    %dma_start3A_13 = arith.constant 0 : i32
    %dma_start3A_14 = arith.constant 0 : i32
    %dma_start3A_15 = tpu.memref_slice %arg13[%dma_start3A_13, %dma_start3A_14] : memref<64x128xf32, #tpu.memory_space<vmem>> -> memref<16x128xf32, #tpu.memory_space<vmem>>
    %dma_start3A_16 = arith.constant 0 : i32
    %dma_start3A_17 = tpu.memref_slice %arg11[%dma_start3A_16] : memref<64xi32, #tpu.memory_space<vmem>> -> memref<16xi32, #tpu.memory_space<vmem>>
    %dma_start3A_18 = arith.constant 0 : i32
    %dma_start3A_19 = arith.constant 0 : i32
    %dma_start3A_20 = tpu.memref_slice %arg6[%dma_start3A_18, %dma_start3A_19] : memref<100000x128xf32, #tpu.memory_space<hbm>> -> memref<100000x128xf32, #tpu.memory_space<hbm>>
    tpu.enqueue_indirect_dma source(%dma_start3A_20 : memref<100000x128xf32, #tpu.memory_space<hbm>>) target(%dma_start3A_15 : memref<16x128xf32, #tpu.memory_space<vmem>>) offsets(%dma_start3A_17 : memref<16xi32, #tpu.memory_space<vmem>>) semaphore(%arg22 : memref<!tpu.dma_semaphore, #tpu.memory_space<semaphore_mem>>)
    %dma_start3A_21 = arith.constant 0 : i32
    %dma_start3A_22 = arith.constant 0 : i32
    %dma_start3A_23 = tpu.memref_slice %arg14[%dma_start3A_21, %dma_start3A_22] : memref<64x128xf32, #tpu.memory_space<vmem>> -> memref<16x128xf32, #tpu.memory_space<vmem>>
    %dma_start3A_24 = arith.constant 0 : i32
    %dma_start3A_25 = tpu.memref_slice %arg12[%dma_start3A_24] : memref<64xi32, #tpu.memory_space<vmem>> -> memref<16xi32, #tpu.memory_space<vmem>>
    %dma_start3A_26 = arith.constant 0 : i32
    %dma_start3A_27 = arith.constant 0 : i32
    %dma_start3A_28 = tpu.memref_slice %arg7[%dma_start3A_26, %dma_start3A_27] : memref<100000x128xf32, #tpu.memory_space<hbm>> -> memref<100000x128xf32, #tpu.memory_space<hbm>>
    tpu.enqueue_indirect_dma source(%dma_start3A_28 : memref<100000x128xf32, #tpu.memory_space<hbm>>) target(%dma_start3A_23 : memref<16x128xf32, #tpu.memory_space<vmem>>) offsets(%dma_start3A_25 : memref<16xi32, #tpu.memory_space<vmem>>) semaphore(%arg22 : memref<!tpu.dma_semaphore, #tpu.memory_space<semaphore_mem>>)
    %dma_start3A_29 = arith.constant 16 : i32
    %dma_start3A_30 = arith.constant 0 : i32
    %dma_start3A_31 = tpu.memref_slice %arg13[%dma_start3A_29, %dma_start3A_30] : memref<64x128xf32, #tpu.memory_space<vmem>> -> memref<16x128xf32, #tpu.memory_space<vmem>>
    %dma_start3A_32 = arith.constant 16 : i32
    %dma_start3A_33 = tpu.memref_slice %arg11[%dma_start3A_32] : memref<64xi32, #tpu.memory_space<vmem>> -> memref<16xi32, #tpu.memory_space<vmem>>
    %dma_start3A_34 = arith.constant 0 : i32
    %dma_start3A_35 = arith.constant 0 : i32
    %dma_start3A_36 = tpu.memref_slice %arg6[%dma_start3A_34, %dma_start3A_35] : memref<100000x128xf32, #tpu.memory_space<hbm>> -> memref<100000x128xf32, #tpu.memory_space<hbm>>
    tpu.enqueue_indirect_dma source(%dma_start3A_36 : memref<100000x128xf32, #tpu.memory_space<hbm>>) target(%dma_start3A_31 : memref<16x128xf32, #tpu.memory_space<vmem>>) offsets(%dma_start3A_33 : memref<16xi32, #tpu.memory_space<vmem>>) semaphore(%arg23 : memref<!tpu.dma_semaphore, #tpu.memory_space<semaphore_mem>>)
    %dma_start3A_37 = arith.constant 16 : i32
    %dma_start3A_38 = arith.constant 0 : i32
    %dma_start3A_39 = tpu.memref_slice %arg14[%dma_start3A_37, %dma_start3A_38] : memref<64x128xf32, #tpu.memory_space<vmem>> -> memref<16x128xf32, #tpu.memory_space<vmem>>
    %dma_start3A_40 = arith.constant 16 : i32
    %dma_start3A_41 = tpu.memref_slice %arg12[%dma_start3A_40] : memref<64xi32, #tpu.memory_space<vmem>> -> memref<16xi32, #tpu.memory_space<vmem>>
    %dma_start3A_42 = arith.constant 0 : i32
    %dma_start3A_43 = arith.constant 0 : i32
    %dma_start3A_44 = tpu.memref_slice %arg7[%dma_start3A_42, %dma_start3A_43] : memref<100000x128xf32, #tpu.memory_space<hbm>> -> memref<100000x128xf32, #tpu.memory_space<hbm>>
    tpu.enqueue_indirect_dma source(%dma_start3A_44 : memref<100000x128xf32, #tpu.memory_space<hbm>>) target(%dma_start3A_39 : memref<16x128xf32, #tpu.memory_space<vmem>>) offsets(%dma_start3A_41 : memref<16xi32, #tpu.memory_space<vmem>>) semaphore(%arg23 : memref<!tpu.dma_semaphore, #tpu.memory_space<semaphore_mem>>)
    %dma_start3A_45 = arith.constant 32 : i32
    %dma_start3A_46 = arith.constant 0 : i32
    %dma_start3A_47 = tpu.memref_slice %arg13[%dma_start3A_45, %dma_start3A_46] : memref<64x128xf32, #tpu.memory_space<vmem>> -> memref<16x128xf32, #tpu.memory_space<vmem>>
    %dma_start3A_48 = arith.constant 32 : i32
    %dma_start3A_49 = tpu.memref_slice %arg11[%dma_start3A_48] : memref<64xi32, #tpu.memory_space<vmem>> -> memref<16xi32, #tpu.memory_space<vmem>>
    %dma_start3A_50 = arith.constant 0 : i32
    %dma_start3A_51 = arith.constant 0 : i32
    %dma_start3A_52 = tpu.memref_slice %arg6[%dma_start3A_50, %dma_start3A_51] : memref<100000x128xf32, #tpu.memory_space<hbm>> -> memref<100000x128xf32, #tpu.memory_space<hbm>>
    tpu.enqueue_indirect_dma source(%dma_start3A_52 : memref<100000x128xf32, #tpu.memory_space<hbm>>) target(%dma_start3A_47 : memref<16x128xf32, #tpu.memory_space<vmem>>) offsets(%dma_start3A_49 : memref<16xi32, #tpu.memory_space<vmem>>) semaphore(%arg24 : memref<!tpu.dma_semaphore, #tpu.memory_space<semaphore_mem>>)
    %dma_start3A_53 = arith.constant 32 : i32
    %dma_start3A_54 = arith.constant 0 : i32
    %dma_start3A_55 = tpu.memref_slice %arg14[%dma_start3A_53, %dma_start3A_54] : memref<64x128xf32, #tpu.memory_space<vmem>> -> memref<16x128xf32, #tpu.memory_space<vmem>>
    %dma_start3A_56 = arith.constant 32 : i32
    %dma_start3A_57 = tpu.memref_slice %arg12[%dma_start3A_56] : memref<64xi32, #tpu.memory_space<vmem>> -> memref<16xi32, #tpu.memory_space<vmem>>
    %dma_start3A_58 = arith.constant 0 : i32
    %dma_start3A_59 = arith.constant 0 : i32
    %dma_start3A_60 = tpu.memref_slice %arg7[%dma_start3A_58, %dma_start3A_59] : memref<100000x128xf32, #tpu.memory_space<hbm>> -> memref<100000x128xf32, #tpu.memory_space<hbm>>
    tpu.enqueue_indirect_dma source(%dma_start3A_60 : memref<100000x128xf32, #tpu.memory_space<hbm>>) target(%dma_start3A_55 : memref<16x128xf32, #tpu.memory_space<vmem>>) offsets(%dma_start3A_57 : memref<16xi32, #tpu.memory_space<vmem>>) semaphore(%arg24 : memref<!tpu.dma_semaphore, #tpu.memory_space<semaphore_mem>>)
    %dma_start3A_61 = arith.constant 48 : i32
    %dma_start3A_62 = arith.constant 0 : i32
    %dma_start3A_63 = tpu.memref_slice %arg13[%dma_start3A_61, %dma_start3A_62] : memref<64x128xf32, #tpu.memory_space<vmem>> -> memref<16x128xf32, #tpu.memory_space<vmem>>
    %dma_start3A_64 = arith.constant 48 : i32
    %dma_start3A_65 = tpu.memref_slice %arg11[%dma_start3A_64] : memref<64xi32, #tpu.memory_space<vmem>> -> memref<16xi32, #tpu.memory_space<vmem>>
    %dma_start3A_66 = arith.constant 0 : i32
    %dma_start3A_67 = arith.constant 0 : i32
    %dma_start3A_68 = tpu.memref_slice %arg6[%dma_start3A_66, %dma_start3A_67] : memref<100000x128xf32, #tpu.memory_space<hbm>> -> memref<100000x128xf32, #tpu.memory_space<hbm>>
    tpu.enqueue_indirect_dma source(%dma_start3A_68 : memref<100000x128xf32, #tpu.memory_space<hbm>>) target(%dma_start3A_63 : memref<16x128xf32, #tpu.memory_space<vmem>>) offsets(%dma_start3A_65 : memref<16xi32, #tpu.memory_space<vmem>>) semaphore(%arg25 : memref<!tpu.dma_semaphore, #tpu.memory_space<semaphore_mem>>)
    %dma_start3A_69 = arith.constant 48 : i32
    %dma_start3A_70 = arith.constant 0 : i32
    %dma_start3A_71 = tpu.memref_slice %arg14[%dma_start3A_69, %dma_start3A_70] : memref<64x128xf32, #tpu.memory_space<vmem>> -> memref<16x128xf32, #tpu.memory_space<vmem>>
    %dma_start3A_72 = arith.constant 48 : i32
    %dma_start3A_73 = tpu.memref_slice %arg12[%dma_start3A_72] : memref<64xi32, #tpu.memory_space<vmem>> -> memref<16xi32, #tpu.memory_space<vmem>>
    %dma_start3A_74 = arith.constant 0 : i32
    %dma_start3A_75 = arith.constant 0 : i32
    %dma_start3A_76 = tpu.memref_slice %arg7[%dma_start3A_74, %dma_start3A_75] : memref<100000x128xf32, #tpu.memory_space<hbm>> -> memref<100000x128xf32, #tpu.memory_space<hbm>>
    tpu.enqueue_indirect_dma source(%dma_start3A_76 : memref<100000x128xf32, #tpu.memory_space<hbm>>) target(%dma_start3A_71 : memref<16x128xf32, #tpu.memory_space<vmem>>) offsets(%dma_start3A_73 : memref<16xi32, #tpu.memory_space<vmem>>) semaphore(%arg25 : memref<!tpu.dma_semaphore, #tpu.memory_space<semaphore_mem>>)
    %dma_start3A_77 = arith.constant 0 : i32
    %dma_start3A_78 = tpu.memref_slice %arg8[%dma_start3A_77] : memref<100000xf32, #tpu.memory_space<hbm>> -> memref<100000xf32, #tpu.memory_space<hbm>>
    tpu.enqueue_indirect_dma source(%dma_start3A_78 : memref<100000xf32, #tpu.memory_space<hbm>>) target(%arg15 : memref<64xf32, #tpu.memory_space<vmem>>) offsets(%arg11 : memref<64xi32, #tpu.memory_space<vmem>>) semaphore(%arg20 : memref<!tpu.dma_semaphore, #tpu.memory_space<semaphore_mem>>)
    %dma_start3A_79 = arith.constant 0 : i32
    %dma_start3A_80 = tpu.memref_slice %arg9[%dma_start3A_79] : memref<100000xf32, #tpu.memory_space<hbm>> -> memref<100000xf32, #tpu.memory_space<hbm>>
    tpu.enqueue_indirect_dma source(%dma_start3A_80 : memref<100000xf32, #tpu.memory_space<hbm>>) target(%arg16 : memref<64xf32, #tpu.memory_space<vmem>>) offsets(%arg12 : memref<64xi32, #tpu.memory_space<vmem>>) semaphore(%arg20 : memref<!tpu.dma_semaphore, #tpu.memory_space<semaphore_mem>>)
    %dma_wait3A_81 = tpu.memref_slice %arg4[%mul3A_2] : memref<1024xf32, #tpu.memory_space<hbm>> -> memref<64xf32, #tpu.memory_space<hbm>>
    %dma_wait3A_82 = tpu.memref_slice %arg4[%mul3A_2] : memref<1024xf32, #tpu.memory_space<hbm>> -> memref<64xf32, #tpu.memory_space<hbm>>
    tpu.wait_dma2 semaphore(%arg20 : memref<!tpu.dma_semaphore, #tpu.memory_space<semaphore_mem>>) src(%dma_wait3A_82 : memref<64xf32, #tpu.memory_space<hbm>>) dst(%arg17 : memref<64xf32, #tpu.memory_space<vmem>>)
    %dma_wait3A_83 = tpu.memref_slice %arg5[%mul3A_2] : memref<1024xf32, #tpu.memory_space<hbm>> -> memref<64xf32, #tpu.memory_space<hbm>>
    %dma_wait3A_84 = tpu.memref_slice %arg5[%mul3A_2] : memref<1024xf32, #tpu.memory_space<hbm>> -> memref<64xf32, #tpu.memory_space<hbm>>
    tpu.wait_dma2 semaphore(%arg20 : memref<!tpu.dma_semaphore, #tpu.memory_space<semaphore_mem>>) src(%dma_wait3A_84 : memref<64xf32, #tpu.memory_space<hbm>>) dst(%arg18 : memref<64xf32, #tpu.memory_space<vmem>>)
    %dma_wait3A_85 = arith.constant 0 : i32
    %dma_wait3A_86 = tpu.memref_slice %arg8[%dma_wait3A_85] : memref<100000xf32, #tpu.memory_space<hbm>> -> memref<100000xf32, #tpu.memory_space<hbm>>
    tpu.wait_indirect_dma semaphore(%arg20 : memref<!tpu.dma_semaphore, #tpu.memory_space<semaphore_mem>>) src(%dma_wait3A_86 : memref<100000xf32, #tpu.memory_space<hbm>>) dst(%arg15 : memref<64xf32, #tpu.memory_space<vmem>>)
    %dma_wait3A_87 = arith.constant 0 : i32
    %dma_wait3A_88 = tpu.memref_slice %arg9[%dma_wait3A_87] : memref<100000xf32, #tpu.memory_space<hbm>> -> memref<100000xf32, #tpu.memory_space<hbm>>
    tpu.wait_indirect_dma semaphore(%arg20 : memref<!tpu.dma_semaphore, #tpu.memory_space<semaphore_mem>>) src(%dma_wait3A_88 : memref<100000xf32, #tpu.memory_space<hbm>>) dst(%arg16 : memref<64xf32, #tpu.memory_space<vmem>>)
    %iota3A = tpu.iota {dimensions = array<i32: 0>} : vector<16xi32>
    %broadcast_in_dim3A = arith.constant 0.000000e+00 : f32
    %broadcast_in_dim3A_89 = vector.broadcast %broadcast_in_dim3A : f32 to vector<16xf32>
    %broadcast_in_dim3A_90 = arith.constant 0.000000e+00 : f32
    %broadcast_in_dim3A_91 = vector.broadcast %broadcast_in_dim3A_90 : f32 to vector<16xf32>
    %broadcast_in_dim3A_92 = arith.constant 0.000000e+00 : f32
    %broadcast_in_dim3A_93 = vector.broadcast %broadcast_in_dim3A_92 : f32 to vector<16xf32>
    %broadcast_in_dim3A_94 = arith.constant 0.000000e+00 : f32
    %broadcast_in_dim3A_95 = vector.broadcast %broadcast_in_dim3A_94 : f32 to vector<16xf32>
    %broadcast_in_dim3A_96 = arith.constant 0.000000e+00 : f32
    %broadcast_in_dim3A_97 = vector.broadcast %broadcast_in_dim3A_96 : f32 to vector<16xf32>
    %dma_wait3A_98 = arith.constant 0 : i32
    %dma_wait3A_99 = arith.constant 0 : i32
    %dma_wait3A_100 = tpu.memref_slice %arg13[%dma_wait3A_98, %dma_wait3A_99] : memref<64x128xf32, #tpu.memory_space<vmem>> -> memref<16x128xf32, #tpu.memory_space<vmem>>
    %dma_wait3A_101 = arith.constant 0 : i32
    %dma_wait3A_102 = tpu.memref_slice %arg11[%dma_wait3A_101] : memref<64xi32, #tpu.memory_space<vmem>> -> memref<16xi32, #tpu.memory_space<vmem>>
    %dma_wait3A_103 = arith.constant 0 : i32
    %dma_wait3A_104 = arith.constant 0 : i32
    %dma_wait3A_105 = tpu.memref_slice %arg6[%dma_wait3A_103, %dma_wait3A_104] : memref<100000x128xf32, #tpu.memory_space<hbm>> -> memref<100000x128xf32, #tpu.memory_space<hbm>>
    tpu.wait_indirect_dma semaphore(%arg22 : memref<!tpu.dma_semaphore, #tpu.memory_space<semaphore_mem>>) src(%dma_wait3A_105 : memref<100000x128xf32, #tpu.memory_space<hbm>>) dst(%dma_wait3A_100 : memref<16x128xf32, #tpu.memory_space<vmem>>)
    %dma_wait3A_106 = arith.constant 0 : i32
    %dma_wait3A_107 = arith.constant 0 : i32
    %dma_wait3A_108 = tpu.memref_slice %arg14[%dma_wait3A_106, %dma_wait3A_107] : memref<64x128xf32, #tpu.memory_space<vmem>> -> memref<16x128xf32, #tpu.memory_space<vmem>>
    %dma_wait3A_109 = arith.constant 0 : i32
    %dma_wait3A_110 = tpu.memref_slice %arg12[%dma_wait3A_109] : memref<64xi32, #tpu.memory_space<vmem>> -> memref<16xi32, #tpu.memory_space<vmem>>
    %dma_wait3A_111 = arith.constant 0 : i32
    %dma_wait3A_112 = arith.constant 0 : i32
    %dma_wait3A_113 = tpu.memref_slice %arg7[%dma_wait3A_111, %dma_wait3A_112] : memref<100000x128xf32, #tpu.memory_space<hbm>> -> memref<100000x128xf32, #tpu.memory_space<hbm>>
    tpu.wait_indirect_dma semaphore(%arg22 : memref<!tpu.dma_semaphore, #tpu.memory_space<semaphore_mem>>) src(%dma_wait3A_113 : memref<100000x128xf32, #tpu.memory_space<hbm>>) dst(%dma_wait3A_108 : memref<16x128xf32, #tpu.memory_space<vmem>>)
    %broadcast_in_dim3A_114 = arith.constant 0.000000e+00 : f32
    %broadcast_in_dim3A_115 = vector.broadcast %broadcast_in_dim3A_114 : f32 to vector<16xf32>
    %scan3A = arith.constant 0 : i32
    %scan3A_116 = arith.constant 16 : i32
    %scan3A_117 = arith.addi %scan3A, %scan3A_116 : i32
    %scan3A_118 = arith.constant 1 : i32
    %scan3A_119 = scf.for %scan3A_286 = %scan3A to %scan3A_117 step %scan3A_118 iter_args(%scan3A_287 = %broadcast_in_dim3A_115) -> (vector<16xf32>)  : i32 {
      %add3A_288 = arith.constant 0 : i32
      %add3A_289 = arith.addi %add3A_288, %scan3A_286 : i32
      %get3A_290 = arith.index_cast %add3A_289 : i32 to index
      %get3A_291 = arith.constant 0 : index
      %get3A_292 = tpu.vector_load %arg13[%get3A_290, %get3A_291] {strides = array<i32>} : memref<64x128xf32, #tpu.memory_space<vmem>>, vector<16xf32>,
      %get3A_293 = arith.index_cast %add3A_289 : i32 to index
      %get3A_294 = arith.constant 0 : index
      %get3A_295 = tpu.vector_load %arg14[%get3A_293, %get3A_294] {strides = array<i32>} : memref<64x128xf32, #tpu.memory_space<vmem>>, vector<16xf32>,
      %mul3A_296 = arith.mulf %get3A_292, %get3A_295 : vector<16xf32>
      %scan3A_297 = arith.constant 1 : i32
      %scan3A_298 = arith.constant 7 : i32
      %scan3A_299 = arith.addi %scan3A_297, %scan3A_298 : i32
      %scan3A_300 = arith.constant 1 : i32
      %scan3A_301 = scf.for %scan3A_308 = %scan3A_297 to %scan3A_299 step %scan3A_300 iter_args(%scan3A_309 = %mul3A_296) -> (vector<16xf32>)  : i32 {
        %mul3A_310 = arith.constant 16 : i32
        %mul3A_311 = arith.muli %scan3A_308, %mul3A_310 : i32
        %get3A_312 = arith.index_cast %add3A_289 : i32 to index
        %get3A_313 = arith.index_cast %mul3A_311 : i32 to index
        %get3A_314 = tpu.vector_load %arg13[%get3A_312, %get3A_313] {strides = array<i32>} : memref<64x128xf32, #tpu.memory_space<vmem>>, vector<16xf32>,
        %mul3A_315 = arith.constant 16 : i32
        %mul3A_316 = arith.muli %scan3A_308, %mul3A_315 : i32
        %get3A_317 = arith.index_cast %add3A_289 : i32 to index
        %get3A_318 = arith.index_cast %mul3A_316 : i32 to index
        %get3A_319 = tpu.vector_load %arg14[%get3A_317, %get3A_318] {strides = array<i32>} : memref<64x128xf32, #tpu.memory_space<vmem>>, vector<16xf32>,
        %mul3A_320 = arith.mulf %get3A_314, %get3A_319 : vector<16xf32>
        %add3A_321 = arith.addf %scan3A_309, %mul3A_320 : vector<16xf32>
        scf.yield %add3A_321 : vector<16xf32>
      }
      %scan3A_302 = arith.constant 7 : i32
      %eq3A = vector.broadcast %scan3A_286 : i32 to vector<16xi32>
      %eq3A_303 = arith.cmpi eq, %iota3A, %eq3A : vector<16xi32>
      %reduce_sum3A = arith.constant true
      %reduce_sum3A_304 = vector.broadcast %reduce_sum3A : i1 to vector<16xi1>
      %reduce_sum3A_305 = tpu.scan <sum>, %scan3A_301 masked %reduce_sum3A_304 : vector<16xf32>, vector<16xi1> -> vector<16xf32>
      %reduce_sum3A_306 = vector.extract %reduce_sum3A_305[15] : f32 from vector<16xf32>
      %broadcast_in_dim3A_307 = vector.broadcast %reduce_sum3A_306 : f32 to vector<16xf32>
      %select_n3A = arith.select %eq3A_303, %broadcast_in_dim3A_307, %scan3A_287 : vector<16xi1>, vector<16xf32>
      scf.yield %select_n3A : vector<16xf32>
    }
    %scan3A_120 = arith.constant 16 : i32
    %get3A = arith.constant 0 : index
    %get3A_121 = tpu.vector_load %arg17[%get3A] {strides = array<i32>} : memref<64xf32, #tpu.memory_space<vmem>>, vector<16xf32>,
    %sub3A = arith.subf %scan3A_119, %get3A_121 : vector<16xf32>
    %get3A_122 = arith.constant 0 : index
    %get3A_123 = tpu.vector_load %arg18[%get3A_122] {strides = array<i32>} : memref<64xf32, #tpu.memory_space<vmem>>, vector<16xf32>,
    %get3A_124 = arith.constant 0 : index
    %get3A_125 = tpu.vector_load %arg15[%get3A_124] {strides = array<i32>} : memref<64xf32, #tpu.memory_space<vmem>>, vector<16xf32>,
    %get3A_126 = arith.constant 0 : index
    %get3A_127 = tpu.vector_load %arg16[%get3A_126] {strides = array<i32>} : memref<64xf32, #tpu.memory_space<vmem>>, vector<16xf32>,
    %add3A_128 = arith.addf %get3A_125, %get3A_127 : vector<16xf32>
    %mul3A_129 = arith.mulf %get3A_123, %sub3A : vector<16xf32>
    %mul3A_130 = arith.mulf %mul3A_129, %sub3A : vector<16xf32>
    %add3A_131 = arith.addf %broadcast_in_dim3A_89, %mul3A_130 : vector<16xf32>
    %mul3A_132 = arith.mulf %get3A_123, %sub3A : vector<16xf32>
    %add3A_133 = arith.addf %broadcast_in_dim3A_91, %mul3A_132 : vector<16xf32>
    %add3A_134 = arith.addf %broadcast_in_dim3A_93, %get3A_123 : vector<16xf32>
    %add3A_135 = arith.addf %broadcast_in_dim3A_95, %add3A_128 : vector<16xf32>
    %mul3A_136 = arith.mulf %add3A_128, %add3A_128 : vector<16xf32>
    %add3A_137 = arith.addf %broadcast_in_dim3A_97, %mul3A_136 : vector<16xf32>
    %dma_wait3A_138 = arith.constant 16 : i32
    %dma_wait3A_139 = arith.constant 0 : i32
    %dma_wait3A_140 = tpu.memref_slice %arg13[%dma_wait3A_138, %dma_wait3A_139] : memref<64x128xf32, #tpu.memory_space<vmem>> -> memref<16x128xf32, #tpu.memory_space<vmem>>
    %dma_wait3A_141 = arith.constant 16 : i32
    %dma_wait3A_142 = tpu.memref_slice %arg11[%dma_wait3A_141] : memref<64xi32, #tpu.memory_space<vmem>> -> memref<16xi32, #tpu.memory_space<vmem>>
    %dma_wait3A_143 = arith.constant 0 : i32
    %dma_wait3A_144 = arith.constant 0 : i32
    %dma_wait3A_145 = tpu.memref_slice %arg6[%dma_wait3A_143, %dma_wait3A_144] : memref<100000x128xf32, #tpu.memory_space<hbm>> -> memref<100000x128xf32, #tpu.memory_space<hbm>>
    tpu.wait_indirect_dma semaphore(%arg23 : memref<!tpu.dma_semaphore, #tpu.memory_space<semaphore_mem>>) src(%dma_wait3A_145 : memref<100000x128xf32, #tpu.memory_space<hbm>>) dst(%dma_wait3A_140 : memref<16x128xf32, #tpu.memory_space<vmem>>)
    %dma_wait3A_146 = arith.constant 16 : i32
    %dma_wait3A_147 = arith.constant 0 : i32
    %dma_wait3A_148 = tpu.memref_slice %arg14[%dma_wait3A_146, %dma_wait3A_147] : memref<64x128xf32, #tpu.memory_space<vmem>> -> memref<16x128xf32, #tpu.memory_space<vmem>>
    %dma_wait3A_149 = arith.constant 16 : i32
    %dma_wait3A_150 = tpu.memref_slice %arg12[%dma_wait3A_149] : memref<64xi32, #tpu.memory_space<vmem>> -> memref<16xi32, #tpu.memory_space<vmem>>
    %dma_wait3A_151 = arith.constant 0 : i32
    %dma_wait3A_152 = arith.constant 0 : i32
    %dma_wait3A_153 = tpu.memref_slice %arg7[%dma_wait3A_151, %dma_wait3A_152] : memref<100000x128xf32, #tpu.memory_space<hbm>> -> memref<100000x128xf32, #tpu.memory_space<hbm>>
    tpu.wait_indirect_dma semaphore(%arg23 : memref<!tpu.dma_semaphore, #tpu.memory_space<semaphore_mem>>) src(%dma_wait3A_153 : memref<100000x128xf32, #tpu.memory_space<hbm>>) dst(%dma_wait3A_148 : memref<16x128xf32, #tpu.memory_space<vmem>>)
    %broadcast_in_dim3A_154 = arith.constant 0.000000e+00 : f32
    %broadcast_in_dim3A_155 = vector.broadcast %broadcast_in_dim3A_154 : f32 to vector<16xf32>
    %scan3A_156 = arith.constant 0 : i32
    %scan3A_157 = arith.constant 16 : i32
    %scan3A_158 = arith.addi %scan3A_156, %scan3A_157 : i32
    %scan3A_159 = arith.constant 1 : i32
    %scan3A_160 = scf.for %scan3A_286 = %scan3A_156 to %scan3A_158 step %scan3A_159 iter_args(%scan3A_287 = %broadcast_in_dim3A_155) -> (vector<16xf32>)  : i32 {
      %add3A_288 = arith.constant 16 : i32
      %add3A_289 = arith.addi %add3A_288, %scan3A_286 : i32
      %get3A_290 = arith.index_cast %add3A_289 : i32 to index
      %get3A_291 = arith.constant 0 : index
      %get3A_292 = tpu.vector_load %arg13[%get3A_290, %get3A_291] {strides = array<i32>} : memref<64x128xf32, #tpu.memory_space<vmem>>, vector<16xf32>,
      %get3A_293 = arith.index_cast %add3A_289 : i32 to index
      %get3A_294 = arith.constant 0 : index
      %get3A_295 = tpu.vector_load %arg14[%get3A_293, %get3A_294] {strides = array<i32>} : memref<64x128xf32, #tpu.memory_space<vmem>>, vector<16xf32>,
      %mul3A_296 = arith.mulf %get3A_292, %get3A_295 : vector<16xf32>
      %scan3A_297 = arith.constant 1 : i32
      %scan3A_298 = arith.constant 7 : i32
      %scan3A_299 = arith.addi %scan3A_297, %scan3A_298 : i32
      %scan3A_300 = arith.constant 1 : i32
      %scan3A_301 = scf.for %scan3A_308 = %scan3A_297 to %scan3A_299 step %scan3A_300 iter_args(%scan3A_309 = %mul3A_296) -> (vector<16xf32>)  : i32 {
        %mul3A_310 = arith.constant 16 : i32
        %mul3A_311 = arith.muli %scan3A_308, %mul3A_310 : i32
        %get3A_312 = arith.index_cast %add3A_289 : i32 to index
        %get3A_313 = arith.index_cast %mul3A_311 : i32 to index
        %get3A_314 = tpu.vector_load %arg13[%get3A_312, %get3A_313] {strides = array<i32>} : memref<64x128xf32, #tpu.memory_space<vmem>>, vector<16xf32>,
        %mul3A_315 = arith.constant 16 : i32
        %mul3A_316 = arith.muli %scan3A_308, %mul3A_315 : i32
        %get3A_317 = arith.index_cast %add3A_289 : i32 to index
        %get3A_318 = arith.index_cast %mul3A_316 : i32 to index
        %get3A_319 = tpu.vector_load %arg14[%get3A_317, %get3A_318] {strides = array<i32>} : memref<64x128xf32, #tpu.memory_space<vmem>>, vector<16xf32>,
        %mul3A_320 = arith.mulf %get3A_314, %get3A_319 : vector<16xf32>
        %add3A_321 = arith.addf %scan3A_309, %mul3A_320 : vector<16xf32>
        scf.yield %add3A_321 : vector<16xf32>
      }
      %scan3A_302 = arith.constant 7 : i32
      %eq3A = vector.broadcast %scan3A_286 : i32 to vector<16xi32>
      %eq3A_303 = arith.cmpi eq, %iota3A, %eq3A : vector<16xi32>
      %reduce_sum3A = arith.constant true
      %reduce_sum3A_304 = vector.broadcast %reduce_sum3A : i1 to vector<16xi1>
      %reduce_sum3A_305 = tpu.scan <sum>, %scan3A_301 masked %reduce_sum3A_304 : vector<16xf32>, vector<16xi1> -> vector<16xf32>
      %reduce_sum3A_306 = vector.extract %reduce_sum3A_305[15] : f32 from vector<16xf32>
      %broadcast_in_dim3A_307 = vector.broadcast %reduce_sum3A_306 : f32 to vector<16xf32>
      %select_n3A = arith.select %eq3A_303, %broadcast_in_dim3A_307, %scan3A_287 : vector<16xi1>, vector<16xf32>
      scf.yield %select_n3A : vector<16xf32>
    }
    %scan3A_161 = arith.constant 16 : i32
    %get3A_162 = arith.constant 16 : index
    %get3A_163 = tpu.vector_load %arg17[%get3A_162] {strides = array<i32>} : memref<64xf32, #tpu.memory_space<vmem>>, vector<16xf32>,
    %sub3A_164 = arith.subf %scan3A_160, %get3A_163 : vector<16xf32>
    %get3A_165 = arith.constant 16 : index
    %get3A_166 = tpu.vector_load %arg18[%get3A_165] {strides = array<i32>} : memref<64xf32, #tpu.memory_space<vmem>>, vector<16xf32>,
    %get3A_167 = arith.constant 16 : index
    %get3A_168 = tpu.vector_load %arg15[%get3A_167] {strides = array<i32>} : memref<64xf32, #tpu.memory_space<vmem>>, vector<16xf32>,
    %get3A_169 = arith.constant 16 : index
    %get3A_170 = tpu.vector_load %arg16[%get3A_169] {strides = array<i32>} : memref<64xf32, #tpu.memory_space<vmem>>, vector<16xf32>,
    %add3A_171 = arith.addf %get3A_168, %get3A_170 : vector<16xf32>
    %mul3A_172 = arith.mulf %get3A_166, %sub3A_164 : vector<16xf32>
    %mul3A_173 = arith.mulf %mul3A_172, %sub3A_164 : vector<16xf32>
    %add3A_174 = arith.addf %add3A_131, %mul3A_173 : vector<16xf32>
    %mul3A_175 = arith.mulf %get3A_166, %sub3A_164 : vector<16xf32>
    %add3A_176 = arith.addf %add3A_133, %mul3A_175 : vector<16xf32>
    %add3A_177 = arith.addf %add3A_134, %get3A_166 : vector<16xf32>
    %add3A_178 = arith.addf %add3A_135, %add3A_171 : vector<16xf32>
    %mul3A_179 = arith.mulf %add3A_171, %add3A_171 : vector<16xf32>
    %add3A_180 = arith.addf %add3A_137, %mul3A_179 : vector<16xf32>
    %dma_wait3A_181 = arith.constant 32 : i32
    %dma_wait3A_182 = arith.constant 0 : i32
    %dma_wait3A_183 = tpu.memref_slice %arg13[%dma_wait3A_181, %dma_wait3A_182] : memref<64x128xf32, #tpu.memory_space<vmem>> -> memref<16x128xf32, #tpu.memory_space<vmem>>
    %dma_wait3A_184 = arith.constant 32 : i32
    %dma_wait3A_185 = tpu.memref_slice %arg11[%dma_wait3A_184] : memref<64xi32, #tpu.memory_space<vmem>> -> memref<16xi32, #tpu.memory_space<vmem>>
    %dma_wait3A_186 = arith.constant 0 : i32
    %dma_wait3A_187 = arith.constant 0 : i32
    %dma_wait3A_188 = tpu.memref_slice %arg6[%dma_wait3A_186, %dma_wait3A_187] : memref<100000x128xf32, #tpu.memory_space<hbm>> -> memref<100000x128xf32, #tpu.memory_space<hbm>>
    tpu.wait_indirect_dma semaphore(%arg24 : memref<!tpu.dma_semaphore, #tpu.memory_space<semaphore_mem>>) src(%dma_wait3A_188 : memref<100000x128xf32, #tpu.memory_space<hbm>>) dst(%dma_wait3A_183 : memref<16x128xf32, #tpu.memory_space<vmem>>)
    %dma_wait3A_189 = arith.constant 32 : i32
    %dma_wait3A_190 = arith.constant 0 : i32
    %dma_wait3A_191 = tpu.memref_slice %arg14[%dma_wait3A_189, %dma_wait3A_190] : memref<64x128xf32, #tpu.memory_space<vmem>> -> memref<16x128xf32, #tpu.memory_space<vmem>>
    %dma_wait3A_192 = arith.constant 32 : i32
    %dma_wait3A_193 = tpu.memref_slice %arg12[%dma_wait3A_192] : memref<64xi32, #tpu.memory_space<vmem>> -> memref<16xi32, #tpu.memory_space<vmem>>
    %dma_wait3A_194 = arith.constant 0 : i32
    %dma_wait3A_195 = arith.constant 0 : i32
    %dma_wait3A_196 = tpu.memref_slice %arg7[%dma_wait3A_194, %dma_wait3A_195] : memref<100000x128xf32, #tpu.memory_space<hbm>> -> memref<100000x128xf32, #tpu.memory_space<hbm>>
    tpu.wait_indirect_dma semaphore(%arg24 : memref<!tpu.dma_semaphore, #tpu.memory_space<semaphore_mem>>) src(%dma_wait3A_196 : memref<100000x128xf32, #tpu.memory_space<hbm>>) dst(%dma_wait3A_191 : memref<16x128xf32, #tpu.memory_space<vmem>>)
    %broadcast_in_dim3A_197 = arith.constant 0.000000e+00 : f32
    %broadcast_in_dim3A_198 = vector.broadcast %broadcast_in_dim3A_197 : f32 to vector<16xf32>
    %scan3A_199 = arith.constant 0 : i32
    %scan3A_200 = arith.constant 16 : i32
    %scan3A_201 = arith.addi %scan3A_199, %scan3A_200 : i32
    %scan3A_202 = arith.constant 1 : i32
    %scan3A_203 = scf.for %scan3A_286 = %scan3A_199 to %scan3A_201 step %scan3A_202 iter_args(%scan3A_287 = %broadcast_in_dim3A_198) -> (vector<16xf32>)  : i32 {
      %add3A_288 = arith.constant 32 : i32
      %add3A_289 = arith.addi %add3A_288, %scan3A_286 : i32
      %get3A_290 = arith.index_cast %add3A_289 : i32 to index
      %get3A_291 = arith.constant 0 : index
      %get3A_292 = tpu.vector_load %arg13[%get3A_290, %get3A_291] {strides = array<i32>} : memref<64x128xf32, #tpu.memory_space<vmem>>, vector<16xf32>,
      %get3A_293 = arith.index_cast %add3A_289 : i32 to index
      %get3A_294 = arith.constant 0 : index
      %get3A_295 = tpu.vector_load %arg14[%get3A_293, %get3A_294] {strides = array<i32>} : memref<64x128xf32, #tpu.memory_space<vmem>>, vector<16xf32>,
      %mul3A_296 = arith.mulf %get3A_292, %get3A_295 : vector<16xf32>
      %scan3A_297 = arith.constant 1 : i32
      %scan3A_298 = arith.constant 7 : i32
      %scan3A_299 = arith.addi %scan3A_297, %scan3A_298 : i32
      %scan3A_300 = arith.constant 1 : i32
      %scan3A_301 = scf.for %scan3A_308 = %scan3A_297 to %scan3A_299 step %scan3A_300 iter_args(%scan3A_309 = %mul3A_296) -> (vector<16xf32>)  : i32 {
        %mul3A_310 = arith.constant 16 : i32
        %mul3A_311 = arith.muli %scan3A_308, %mul3A_310 : i32
        %get3A_312 = arith.index_cast %add3A_289 : i32 to index
        %get3A_313 = arith.index_cast %mul3A_311 : i32 to index
        %get3A_314 = tpu.vector_load %arg13[%get3A_312, %get3A_313] {strides = array<i32>} : memref<64x128xf32, #tpu.memory_space<vmem>>, vector<16xf32>,
        %mul3A_315 = arith.constant 16 : i32
        %mul3A_316 = arith.muli %scan3A_308, %mul3A_315 : i32
        %get3A_317 = arith.index_cast %add3A_289 : i32 to index
        %get3A_318 = arith.index_cast %mul3A_316 : i32 to index
        %get3A_319 = tpu.vector_load %arg14[%get3A_317, %get3A_318] {strides = array<i32>} : memref<64x128xf32, #tpu.memory_space<vmem>>, vector<16xf32>,
        %mul3A_320 = arith.mulf %get3A_314, %get3A_319 : vector<16xf32>
        %add3A_321 = arith.addf %scan3A_309, %mul3A_320 : vector<16xf32>
        scf.yield %add3A_321 : vector<16xf32>
      }
      %scan3A_302 = arith.constant 7 : i32
      %eq3A = vector.broadcast %scan3A_286 : i32 to vector<16xi32>
      %eq3A_303 = arith.cmpi eq, %iota3A, %eq3A : vector<16xi32>
      %reduce_sum3A = arith.constant true
      %reduce_sum3A_304 = vector.broadcast %reduce_sum3A : i1 to vector<16xi1>
      %reduce_sum3A_305 = tpu.scan <sum>, %scan3A_301 masked %reduce_sum3A_304 : vector<16xf32>, vector<16xi1> -> vector<16xf32>
      %reduce_sum3A_306 = vector.extract %reduce_sum3A_305[15] : f32 from vector<16xf32>
      %broadcast_in_dim3A_307 = vector.broadcast %reduce_sum3A_306 : f32 to vector<16xf32>
      %select_n3A = arith.select %eq3A_303, %broadcast_in_dim3A_307, %scan3A_287 : vector<16xi1>, vector<16xf32>
      scf.yield %select_n3A : vector<16xf32>
    }
    %scan3A_204 = arith.constant 16 : i32
    %get3A_205 = arith.constant 32 : index
    %get3A_206 = tpu.vector_load %arg17[%get3A_205] {strides = array<i32>} : memref<64xf32, #tpu.memory_space<vmem>>, vector<16xf32>,
    %sub3A_207 = arith.subf %scan3A_203, %get3A_206 : vector<16xf32>
    %get3A_208 = arith.constant 32 : index
    %get3A_209 = tpu.vector_load %arg18[%get3A_208] {strides = array<i32>} : memref<64xf32, #tpu.memory_space<vmem>>, vector<16xf32>,
    %get3A_210 = arith.constant 32 : index
    %get3A_211 = tpu.vector_load %arg15[%get3A_210] {strides = array<i32>} : memref<64xf32, #tpu.memory_space<vmem>>, vector<16xf32>,
    %get3A_212 = arith.constant 32 : index
    %get3A_213 = tpu.vector_load %arg16[%get3A_212] {strides = array<i32>} : memref<64xf32, #tpu.memory_space<vmem>>, vector<16xf32>,
    %add3A_214 = arith.addf %get3A_211, %get3A_213 : vector<16xf32>
    %mul3A_215 = arith.mulf %get3A_209, %sub3A_207 : vector<16xf32>
    %mul3A_216 = arith.mulf %mul3A_215, %sub3A_207 : vector<16xf32>
    %add3A_217 = arith.addf %add3A_174, %mul3A_216 : vector<16xf32>
    %mul3A_218 = arith.mulf %get3A_209, %sub3A_207 : vector<16xf32>
    %add3A_219 = arith.addf %add3A_176, %mul3A_218 : vector<16xf32>
    %add3A_220 = arith.addf %add3A_177, %get3A_209 : vector<16xf32>
    %add3A_221 = arith.addf %add3A_178, %add3A_214 : vector<16xf32>
    %mul3A_222 = arith.mulf %add3A_214, %add3A_214 : vector<16xf32>
    %add3A_223 = arith.addf %add3A_180, %mul3A_222 : vector<16xf32>
    %dma_wait3A_224 = arith.constant 48 : i32
    %dma_wait3A_225 = arith.constant 0 : i32
    %dma_wait3A_226 = tpu.memref_slice %arg13[%dma_wait3A_224, %dma_wait3A_225] : memref<64x128xf32, #tpu.memory_space<vmem>> -> memref<16x128xf32, #tpu.memory_space<vmem>>
    %dma_wait3A_227 = arith.constant 48 : i32
    %dma_wait3A_228 = tpu.memref_slice %arg11[%dma_wait3A_227] : memref<64xi32, #tpu.memory_space<vmem>> -> memref<16xi32, #tpu.memory_space<vmem>>
    %dma_wait3A_229 = arith.constant 0 : i32
    %dma_wait3A_230 = arith.constant 0 : i32
    %dma_wait3A_231 = tpu.memref_slice %arg6[%dma_wait3A_229, %dma_wait3A_230] : memref<100000x128xf32, #tpu.memory_space<hbm>> -> memref<100000x128xf32, #tpu.memory_space<hbm>>
    tpu.wait_indirect_dma semaphore(%arg25 : memref<!tpu.dma_semaphore, #tpu.memory_space<semaphore_mem>>) src(%dma_wait3A_231 : memref<100000x128xf32, #tpu.memory_space<hbm>>) dst(%dma_wait3A_226 : memref<16x128xf32, #tpu.memory_space<vmem>>)
    %dma_wait3A_232 = arith.constant 48 : i32
    %dma_wait3A_233 = arith.constant 0 : i32
    %dma_wait3A_234 = tpu.memref_slice %arg14[%dma_wait3A_232, %dma_wait3A_233] : memref<64x128xf32, #tpu.memory_space<vmem>> -> memref<16x128xf32, #tpu.memory_space<vmem>>
    %dma_wait3A_235 = arith.constant 48 : i32
    %dma_wait3A_236 = tpu.memref_slice %arg12[%dma_wait3A_235] : memref<64xi32, #tpu.memory_space<vmem>> -> memref<16xi32, #tpu.memory_space<vmem>>
    %dma_wait3A_237 = arith.constant 0 : i32
    %dma_wait3A_238 = arith.constant 0 : i32
    %dma_wait3A_239 = tpu.memref_slice %arg7[%dma_wait3A_237, %dma_wait3A_238] : memref<100000x128xf32, #tpu.memory_space<hbm>> -> memref<100000x128xf32, #tpu.memory_space<hbm>>
    tpu.wait_indirect_dma semaphore(%arg25 : memref<!tpu.dma_semaphore, #tpu.memory_space<semaphore_mem>>) src(%dma_wait3A_239 : memref<100000x128xf32, #tpu.memory_space<hbm>>) dst(%dma_wait3A_234 : memref<16x128xf32, #tpu.memory_space<vmem>>)
    %broadcast_in_dim3A_240 = arith.constant 0.000000e+00 : f32
    %broadcast_in_dim3A_241 = vector.broadcast %broadcast_in_dim3A_240 : f32 to vector<16xf32>
    %scan3A_242 = arith.constant 0 : i32
    %scan3A_243 = arith.constant 16 : i32
    %scan3A_244 = arith.addi %scan3A_242, %scan3A_243 : i32
    %scan3A_245 = arith.constant 1 : i32
    %scan3A_246 = scf.for %scan3A_286 = %scan3A_242 to %scan3A_244 step %scan3A_245 iter_args(%scan3A_287 = %broadcast_in_dim3A_241) -> (vector<16xf32>)  : i32 {
      %add3A_288 = arith.constant 48 : i32
      %add3A_289 = arith.addi %add3A_288, %scan3A_286 : i32
      %get3A_290 = arith.index_cast %add3A_289 : i32 to index
      %get3A_291 = arith.constant 0 : index
      %get3A_292 = tpu.vector_load %arg13[%get3A_290, %get3A_291] {strides = array<i32>} : memref<64x128xf32, #tpu.memory_space<vmem>>, vector<16xf32>,
      %get3A_293 = arith.index_cast %add3A_289 : i32 to index
      %get3A_294 = arith.constant 0 : index
      %get3A_295 = tpu.vector_load %arg14[%get3A_293, %get3A_294] {strides = array<i32>} : memref<64x128xf32, #tpu.memory_space<vmem>>, vector<16xf32>,
      %mul3A_296 = arith.mulf %get3A_292, %get3A_295 : vector<16xf32>
      %scan3A_297 = arith.constant 1 : i32
      %scan3A_298 = arith.constant 7 : i32
      %scan3A_299 = arith.addi %scan3A_297, %scan3A_298 : i32
      %scan3A_300 = arith.constant 1 : i32
      %scan3A_301 = scf.for %scan3A_308 = %scan3A_297 to %scan3A_299 step %scan3A_300 iter_args(%scan3A_309 = %mul3A_296) -> (vector<16xf32>)  : i32 {
        %mul3A_310 = arith.constant 16 : i32
        %mul3A_311 = arith.muli %scan3A_308, %mul3A_310 : i32
        %get3A_312 = arith.index_cast %add3A_289 : i32 to index
        %get3A_313 = arith.index_cast %mul3A_311 : i32 to index
        %get3A_314 = tpu.vector_load %arg13[%get3A_312, %get3A_313] {strides = array<i32>} : memref<64x128xf32, #tpu.memory_space<vmem>>, vector<16xf32>,
        %mul3A_315 = arith.constant 16 : i32
        %mul3A_316 = arith.muli %scan3A_308, %mul3A_315 : i32
        %get3A_317 = arith.index_cast %add3A_289 : i32 to index
        %get3A_318 = arith.index_cast %mul3A_316 : i32 to index
        %get3A_319 = tpu.vector_load %arg14[%get3A_317, %get3A_318] {strides = array<i32>} : memref<64x128xf32, #tpu.memory_space<vmem>>, vector<16xf32>,
        %mul3A_320 = arith.mulf %get3A_314, %get3A_319 : vector<16xf32>
        %add3A_321 = arith.addf %scan3A_309, %mul3A_320 : vector<16xf32>
        scf.yield %add3A_321 : vector<16xf32>
      }
      %scan3A_302 = arith.constant 7 : i32
      %eq3A = vector.broadcast %scan3A_286 : i32 to vector<16xi32>
      %eq3A_303 = arith.cmpi eq, %iota3A, %eq3A : vector<16xi32>
      %reduce_sum3A = arith.constant true
      %reduce_sum3A_304 = vector.broadcast %reduce_sum3A : i1 to vector<16xi1>
      %reduce_sum3A_305 = tpu.scan <sum>, %scan3A_301 masked %reduce_sum3A_304 : vector<16xf32>, vector<16xi1> -> vector<16xf32>
      %reduce_sum3A_306 = vector.extract %reduce_sum3A_305[15] : f32 from vector<16xf32>
      %broadcast_in_dim3A_307 = vector.broadcast %reduce_sum3A_306 : f32 to vector<16xf32>
      %select_n3A = arith.select %eq3A_303, %broadcast_in_dim3A_307, %scan3A_287 : vector<16xi1>, vector<16xf32>
      scf.yield %select_n3A : vector<16xf32>
    }
    %scan3A_247 = arith.constant 16 : i32
    %get3A_248 = arith.constant 48 : index
    %get3A_249 = tpu.vector_load %arg17[%get3A_248] {strides = array<i32>} : memref<64xf32, #tpu.memory_space<vmem>>, vector<16xf32>,
    %sub3A_250 = arith.subf %scan3A_246, %get3A_249 : vector<16xf32>
    %get3A_251 = arith.constant 48 : index
    %get3A_252 = tpu.vector_load %arg18[%get3A_251] {strides = array<i32>} : memref<64xf32, #tpu.memory_space<vmem>>, vector<16xf32>,
    %get3A_253 = arith.constant 48 : index
    %get3A_254 = tpu.vector_load %arg15[%get3A_253] {strides = array<i32>} : memref<64xf32, #tpu.memory_space<vmem>>, vector<16xf32>,
    %get3A_255 = arith.constant 48 : index
    %get3A_256 = tpu.vector_load %arg16[%get3A_255] {strides = array<i32>} : memref<64xf32, #tpu.memory_space<vmem>>, vector<16xf32>,
    %add3A_257 = arith.addf %get3A_254, %get3A_256 : vector<16xf32>
    %mul3A_258 = arith.mulf %get3A_252, %sub3A_250 : vector<16xf32>
    %mul3A_259 = arith.mulf %mul3A_258, %sub3A_250 : vector<16xf32>
    %add3A_260 = arith.addf %add3A_217, %mul3A_259 : vector<16xf32>
    %mul3A_261 = arith.mulf %get3A_252, %sub3A_250 : vector<16xf32>
    %add3A_262 = arith.addf %add3A_219, %mul3A_261 : vector<16xf32>
    %add3A_263 = arith.addf %add3A_220, %get3A_252 : vector<16xf32>
    %add3A_264 = arith.addf %add3A_221, %add3A_257 : vector<16xf32>
    %mul3A_265 = arith.mulf %add3A_257, %add3A_257 : vector<16xf32>
    %add3A_266 = arith.addf %add3A_223, %mul3A_265 : vector<16xf32>
    %swap3A = arith.constant 0 : i32
    %swap3A_267 = arith.index_cast %swap3A : i32 to index
    %swap3A_268 = arith.constant 0 : index
    %swap3A_269 = tpu.vector_load %arg19[%swap3A_267, %swap3A_268] {strides = array<i32>} : memref<5x16xf32, #tpu.memory_space<vmem>>, vector<16xf32>,
    tpu.vector_store %arg19[%swap3A_267, %swap3A_268], %add3A_260 {strides = array<i32>} : memref<5x16xf32, #tpu.memory_space<vmem>>, vector<16xf32>,
    %swap3A_270 = arith.constant 1 : i32
    %swap3A_271 = arith.index_cast %swap3A_270 : i32 to index
    %swap3A_272 = arith.constant 0 : index
    %swap3A_273 = tpu.vector_load %arg19[%swap3A_271, %swap3A_272] {strides = array<i32>} : memref<5x16xf32, #tpu.memory_space<vmem>>, vector<16xf32>,
    tpu.vector_store %arg19[%swap3A_271, %swap3A_272], %add3A_262 {strides = array<i32>} : memref<5x16xf32, #tpu.memory_space<vmem>>, vector<16xf32>,
    %swap3A_274 = arith.constant 2 : i32
    %swap3A_275 = arith.index_cast %swap3A_274 : i32 to index
    %swap3A_276 = arith.constant 0 : index
    %swap3A_277 = tpu.vector_load %arg19[%swap3A_275, %swap3A_276] {strides = array<i32>} : memref<5x16xf32, #tpu.memory_space<vmem>>, vector<16xf32>,
    tpu.vector_store %arg19[%swap3A_275, %swap3A_276], %add3A_263 {strides = array<i32>} : memref<5x16xf32, #tpu.memory_space<vmem>>, vector<16xf32>,
    %swap3A_278 = arith.constant 3 : i32
    %swap3A_279 = arith.index_cast %swap3A_278 : i32 to index
    %swap3A_280 = arith.constant 0 : index
    %swap3A_281 = tpu.vector_load %arg19[%swap3A_279, %swap3A_280] {strides = array<i32>} : memref<5x16xf32, #tpu.memory_space<vmem>>, vector<16xf32>,
    tpu.vector_store %arg19[%swap3A_279, %swap3A_280], %add3A_264 {strides = array<i32>} : memref<5x16xf32, #tpu.memory_space<vmem>>, vector<16xf32>,
    %swap3A_282 = arith.constant 4 : i32
    %swap3A_283 = arith.index_cast %swap3A_282 : i32 to index
    %swap3A_284 = arith.constant 0 : index
    %swap3A_285 = tpu.vector_load %arg19[%swap3A_283, %swap3A_284] {strides = array<i32>} : memref<5x16xf32, #tpu.memory_space<vmem>>, vector<16xf32>,
    tpu.vector_store %arg19[%swap3A_283, %swap3A_284], %add3A_266 {strides = array<i32>} : memref<5x16xf32, #tpu.memory_space<vmem>>, vector<16xf32>,
    "tpu.region"() ({
      %run_scoped3A = tpu.sem_alloc : memref<!tpu.dma_semaphore, #tpu.memory_space<semaphore_mem>>
      %dma_start3A_286 = arith.constant 0 : i32
      %dma_start3A_287 = arith.constant 0 : i32
      %dma_start3A_288 = tpu.memref_slice %arg10[%add3A, %dma_start3A_286, %dma_start3A_287] : memref<16x5x16xf32, #tpu.memory_space<hbm>> -> memref<1x5x16xf32, #tpu.memory_space<hbm>>
      %dma_start3A_289 = tpu.memref_squeeze %dma_start3A_288 : memref<1x5x16xf32, #tpu.memory_space<hbm>> -> memref<5x16xf32, #tpu.memory_space<hbm>>
      %dma_start3A_290 = arith.constant 0 : i32
      %dma_start3A_291 = arith.constant 0 : i32
      %dma_start3A_292 = tpu.memref_slice %arg10[%add3A, %dma_start3A_290, %dma_start3A_291] : memref<16x5x16xf32, #tpu.memory_space<hbm>> -> memref<1x5x16xf32, #tpu.memory_space<hbm>>
      %dma_start3A_293 = tpu.memref_squeeze %dma_start3A_292 : memref<1x5x16xf32, #tpu.memory_space<hbm>> -> memref<5x16xf32, #tpu.memory_space<hbm>>
      tpu.enqueue_dma source(%arg19 : memref<5x16xf32, #tpu.memory_space<vmem>>) target(%dma_start3A_293 : memref<5x16xf32, #tpu.memory_space<hbm>>) target_semaphore(%run_scoped3A : memref<!tpu.dma_semaphore, #tpu.memory_space<semaphore_mem>>)
      %dma_wait3A_294 = arith.constant 0 : i32
      %dma_wait3A_295 = arith.constant 0 : i32
      %dma_wait3A_296 = tpu.memref_slice %arg10[%add3A, %dma_wait3A_294, %dma_wait3A_295] : memref<16x5x16xf32, #tpu.memory_space<hbm>> -> memref<1x5x16xf32, #tpu.memory_space<hbm>>
      %dma_wait3A_297 = tpu.memref_squeeze %dma_wait3A_296 : memref<1x5x16xf32, #tpu.memory_space<hbm>> -> memref<5x16xf32, #tpu.memory_space<hbm>>
      %dma_wait3A_298 = arith.constant 0 : i32
      %dma_wait3A_299 = arith.constant 0 : i32
      %dma_wait3A_300 = tpu.memref_slice %arg10[%add3A, %dma_wait3A_298, %dma_wait3A_299] : memref<16x5x16xf32, #tpu.memory_space<hbm>> -> memref<1x5x16xf32, #tpu.memory_space<hbm>>
      %dma_wait3A_301 = tpu.memref_squeeze %dma_wait3A_300 : memref<1x5x16xf32, #tpu.memory_space<hbm>> -> memref<5x16xf32, #tpu.memory_space<hbm>>
      tpu.wait_dma2 semaphore(%run_scoped3A : memref<!tpu.dma_semaphore, #tpu.memory_space<semaphore_mem>>) src(%arg19 : memref<5x16xf32, #tpu.memory_space<vmem>>) dst(%dma_wait3A_301 : memref<5x16xf32, #tpu.memory_space<hbm>>)
      tpu.yield
    }) : () -> ()
    return
  }
}

module attributes {stable_mosaic.version = 14 : i64} {
  func.func @_combine_body(%arg0: memref<16x5x16xf32, #tpu.memory_space<vmem>>, %arg1: memref<1x1xf32, #tpu.memory_space<smem>>) attributes {dimension_semantics = [], scalar_prefetch = 0 : i64, scratch_operands = 0 : i64, tpu.core_type = #tpu.core_type<tc>} {
    %get3A = arith.constant 0 : index
    %get3A_0 = arith.constant 0 : index
    %get3A_1 = arith.constant 0 : index
    %get3A_2 = vector.load %arg0[%get3A, %get3A_0, %get3A_1] : memref<16x5x16xf32, #tpu.memory_space<vmem>>, vector<16x5x16xf32>
    %slice3A = vector.extract_strided_slice %get3A_2 {offsets = [0, 0, 0], sizes = [16, 1, 16], strides = [1, 1, 1]} : vector<16x5x16xf32> to vector<16x1x16xf32>
    %squeeze3A = vector.shape_cast %slice3A : vector<16x1x16xf32> to vector<16x16xf32>
    %reduce_sum3A = vector.shape_cast %squeeze3A : vector<16x16xf32> to vector<1x16x16xf32>
    %reduce_sum3A_3 = arith.constant dense<0.000000e+00> : vector<1xf32>
    %reduce_sum3A_4 = vector.multi_reduction <add>, %reduce_sum3A, %reduce_sum3A_3 [1, 2] : vector<1x16x16xf32> to vector<1xf32>
    %reduce_sum3A_5 = vector.shape_cast %reduce_sum3A_4 : vector<1xf32> to vector<1x1x1xf32>
    %reduce_sum3A_6 = vector.extract %reduce_sum3A_5[0, 0, 0] : f32 from vector<1x1x1xf32>
    %slice3A_7 = vector.extract_strided_slice %get3A_2 {offsets = [0, 1, 0], sizes = [16, 1, 16], strides = [1, 1, 1]} : vector<16x5x16xf32> to vector<16x1x16xf32>
    %squeeze3A_8 = vector.shape_cast %slice3A_7 : vector<16x1x16xf32> to vector<16x16xf32>
    %reduce_sum3A_9 = vector.shape_cast %squeeze3A_8 : vector<16x16xf32> to vector<1x16x16xf32>
    %reduce_sum3A_10 = arith.constant dense<0.000000e+00> : vector<1xf32>
    %reduce_sum3A_11 = vector.multi_reduction <add>, %reduce_sum3A_9, %reduce_sum3A_10 [1, 2] : vector<1x16x16xf32> to vector<1xf32>
    %reduce_sum3A_12 = vector.shape_cast %reduce_sum3A_11 : vector<1xf32> to vector<1x1x1xf32>
    %reduce_sum3A_13 = vector.extract %reduce_sum3A_12[0, 0, 0] : f32 from vector<1x1x1xf32>
    %slice3A_14 = vector.extract_strided_slice %get3A_2 {offsets = [0, 2, 0], sizes = [16, 1, 16], strides = [1, 1, 1]} : vector<16x5x16xf32> to vector<16x1x16xf32>
    %squeeze3A_15 = vector.shape_cast %slice3A_14 : vector<16x1x16xf32> to vector<16x16xf32>
    %reduce_sum3A_16 = vector.shape_cast %squeeze3A_15 : vector<16x16xf32> to vector<1x16x16xf32>
    %reduce_sum3A_17 = arith.constant dense<0.000000e+00> : vector<1xf32>
    %reduce_sum3A_18 = vector.multi_reduction <add>, %reduce_sum3A_16, %reduce_sum3A_17 [1, 2] : vector<1x16x16xf32> to vector<1xf32>
    %reduce_sum3A_19 = vector.shape_cast %reduce_sum3A_18 : vector<1xf32> to vector<1x1x1xf32>
    %reduce_sum3A_20 = vector.extract %reduce_sum3A_19[0, 0, 0] : f32 from vector<1x1x1xf32>
    %slice3A_21 = vector.extract_strided_slice %get3A_2 {offsets = [0, 3, 0], sizes = [16, 1, 16], strides = [1, 1, 1]} : vector<16x5x16xf32> to vector<16x1x16xf32>
    %squeeze3A_22 = vector.shape_cast %slice3A_21 : vector<16x1x16xf32> to vector<16x16xf32>
    %reduce_sum3A_23 = vector.shape_cast %squeeze3A_22 : vector<16x16xf32> to vector<1x16x16xf32>
    %reduce_sum3A_24 = arith.constant dense<0.000000e+00> : vector<1xf32>
    %reduce_sum3A_25 = vector.multi_reduction <add>, %reduce_sum3A_23, %reduce_sum3A_24 [1, 2] : vector<1x16x16xf32> to vector<1xf32>
    %reduce_sum3A_26 = vector.shape_cast %reduce_sum3A_25 : vector<1xf32> to vector<1x1x1xf32>
    %reduce_sum3A_27 = vector.extract %reduce_sum3A_26[0, 0, 0] : f32 from vector<1x1x1xf32>
    %slice3A_28 = vector.extract_strided_slice %get3A_2 {offsets = [0, 4, 0], sizes = [16, 1, 16], strides = [1, 1, 1]} : vector<16x5x16xf32> to vector<16x1x16xf32>
    %squeeze3A_29 = vector.shape_cast %slice3A_28 : vector<16x1x16xf32> to vector<16x16xf32>
    %reduce_sum3A_30 = vector.shape_cast %squeeze3A_29 : vector<16x16xf32> to vector<1x16x16xf32>
    %reduce_sum3A_31 = arith.constant dense<0.000000e+00> : vector<1xf32>
    %reduce_sum3A_32 = vector.multi_reduction <add>, %reduce_sum3A_30, %reduce_sum3A_31 [1, 2] : vector<1x16x16xf32> to vector<1xf32>
    %reduce_sum3A_33 = vector.shape_cast %reduce_sum3A_32 : vector<1xf32> to vector<1x1x1xf32>
    %reduce_sum3A_34 = vector.extract %reduce_sum3A_33[0, 0, 0] : f32 from vector<1x1x1xf32>
    %mul3A = arith.constant 1.024000e+03 : f32
    %mul3A_35 = arith.mulf %mul3A, %reduce_sum3A_6 : f32
    %mul3A_36 = arith.constant 2.000000e+00 : f32
    %mul3A_37 = arith.mulf %mul3A_36, %reduce_sum3A_13 : f32
    %mul3A_38 = arith.mulf %mul3A_37, %reduce_sum3A_27 : f32
    %add3A = arith.addf %mul3A_35, %mul3A_38 : f32
    %mul3A_39 = arith.mulf %reduce_sum3A_20, %reduce_sum3A_34 : f32
    %add3A_40 = arith.addf %add3A, %mul3A_39 : f32
    %swap3A = arith.constant 0 : index
    %swap3A_41 = arith.constant 0 : index
    %swap3A_42 = memref.load %arg1[%swap3A, %swap3A_41] : memref<1x1xf32, #tpu.memory_space<smem>>
    memref.store %add3A_40, %arg1[%swap3A, %swap3A_41] : memref<1x1xf32, #tpu.memory_space<smem>>
    return
  }
}

</mosaic_0001>

<sc_bundles>
// kernel: kernel.4.cloned.1.call-start
scs
__scs_entry_jumppad:
0x0: {  	(pc) =	sbr.rel $0x88, $3  }
0x1: {  	(tag) =	ssettag $0x0;
	lr =	simm.s32 $0x1  }
0x2: {  	[smem:$0x3F99] =	sst lr;
	_ =	strace $0xD0000000  }
0x3: {  	_ = 	snop  }
0x4: {  	_ = 	snop  }
0x5: {  	_ = 	snop  }
0x6: {  	_ = 	snop  }
0x7: {  	_ = 	snop  }
__scs_overlays_trampoline_lowered:
0x8: {  	[smem:$0x3FA8] =	sst s0  }
0x9: {  	[smem:$0x3FA9] =	sst s1  }
0xa: {  	[smem:$0x3FAA] =	sst s2  }
0xb: {  	[smem:$0x3FAB] =	sst s3  }
0xc: {  	[smem:$0x3FAC] =	sst s4  }
0xd: {  	[smem:$0x3FAD] =	sst s5  }
0xe: {  	[smem:$0x3FAE] =	sst s6  }
0xf: {  	[smem:$0x3FAF] =	sst s7  }
0x10: {  	[smem:$0x3FB0] =	sst s8  }
0x11: {  	[smem:$0x3FB1] =	sst s9;
	s0 =	simm.s32 @!p0 $0x0  }
0x12: {  	s1 =	sld [smem:$0x3F97];
	s0 =	simm.s32 @p0 $0x1  }
0x13: {  	[smem:$0x3FB2] =	sst s0;
	s0 =	simm.s32 @!p1 $0x0  }
0x14: {  	s2 =	sld [smem:$0x3F96];
	s0 =	simm.s32 @p1 $0x1  }
0x15: {  	[smem:$0x3FB3] =	sst s0;
	s0 =	simm.s32 @!p2 $0x0  }
0x16: {  	s3 =	sld [smem:$0x3FDB];
	s0 =	simm.s32 @p2 $0x1  }
0x17: {  	s4 =	simm.s32 $0x1BF5;
	[smem:$0x3FB5] =	sst s0  }
0x18: {  	s0 =	sld [smem:$0x3F98];
	_ =	swait.ge [sflag:s4], $0x0  }
0x19: {  	s7 =	sld [smem:$0x3F99]  }
0x1a: {  	s8 =	sadd.s32 $0xFFFFE003, lr  }
0x1b: {  	s9 =	sadd.s32 $0xFFFFFEF7, lr;
	s5 =	simm.s32 $0xFFFFFFFF;
	p2 =	slt.u32 s8, $0xFFFFF086  }
0x1c: {  	p1 =	slt.u32 s9, $0xF7A;
	s5 =	simm.s32 @!p2 $0x0  }
0x1d: {  	s5 =	simm.s32 @p1 $0x1;
	p0 =	seq.s32 s7, s2  }
0x1e: {  	s7 =	smul.u32 @!p0 $0xF7A, s2;
	p2 =	seq.s32 @!p0 s5, $0x0  }
0x1f: {  	s9 =	smul.u32 $0xF7A, s1;
	s8 =	simm.s32 @!p0 $0x1BF5;
	p2 =	por !p2, p0  }
0x20: {  	[sflag:s8] =	ssyncset.s32 @!p0 $0xFFFFF086;
	s6 =	sadd.s32 @!p0 s3, s7;
	s7 =	simm.s32 @!p0 $0x108  }
0x21: {  	s3 =	sadd.s32 s3, s9;
	s6 =	sadd.s32 @!p0 $0x88, s6;
	s7 =	simm.s32 @p2 $0x1082  }
0x22: {  	[simem:s7], [sflag:s8] =	dma.local @!p0 [hbm:s6], $0xF7A  }
0x23: {  	s9 =	sor.u32 $0xD0000000, s2;
	s6 =	simm.s32 $0x108;
	_ =	swait.ge @!p0 [sflag:s8], $0x0  }
0x24: {  	s3 =	sadd.s32 $0x88, s3;
	s6 =	simm.s32 @!p1 $0x1082;
	[sflag:s4] =	ssyncset.s32 $0xFFFFF086  }
0x25: {  	[simem:s6], [sflag:s4] =	dma.local [hbm:s3], $0xF7A  }
0x26: {  	[smem:$0x3F99] =	sst s1;
	(tag) =	ssettag s2;
	_ =	strace s9  }
0x27: {  	s1 =	sld [smem:$0x3FA9]  }
0x28: {  	s2 =	sld [smem:$0x3FAA]  }
0x29: {  	s4 =	sld [smem:$0x3FAC]  }
0x2a: {  	p0 =	seq.s32 s5, $0x0;
	s5 =	sld [smem:$0x3FAD]  }
0x2b: {  	s6 =	sld [smem:$0x3FAE]  }
0x2c: {  	s7 =	sld [smem:$0x3FAF]  }
0x2d: {  	s3 =	simm.s32 $0x108;
	s8 =	sld [smem:$0x3FB0]  }
0x2e: {  	s3 =	simm.s32 @!p0 $0x1082;
	s9 =	sld [smem:$0x3FB1]  }
0x2f: {  	lr =	sadd.s32 s0, s3;
	s0 =	sld [smem:$0x3FA8]  }
0x30: {  	s3 =	sld [smem:$0x3FAB]  }
0x31: {  	[smem:$0x3FB4] =	sst s10  }
0x32: {  	s10 =	sld [smem:$0x3FB2];
	_ =	sdelay $0x3  }
0x33: {  	p0 =	seq.s32 s10, $0x1;
	s10 =	sld [smem:$0x3FB4];
	_ =	sdelay $0x3  }
0x34: {  	[smem:$0x3FB4] =	sst s10  }
0x35: {  	s10 =	sld [smem:$0x3FB3];
	_ =	sdelay $0x3  }
0x36: {  	p1 =	seq.s32 s10, $0x1;
	s10 =	sld [smem:$0x3FB4];
	_ =	sdelay $0x3  }
0x37: {  	[smem:$0x3FB4] =	sst s10  }
0x38: {  	s10 =	sld [smem:$0x3FB5]  }
0x39: {  	_ = 	snop;
	(pc) =	sbr.ind lr, $3  }
0x3a: {  	_ = 	snop  }
0x3b: {  	_ = 	snop  }
0x3c: {  	p2 =	seq.s32 s10, $0x1;
	s10 =	sld [smem:$0x3FB4]  }
0x3d: {  	_ =	shalt  }
0x3e: {  	_ =	shalt  }
0x3f: {  	_ =	shalt  }
0x40: {  	_ =	shalt  }
0x41: {  	_ =	shalt  }
0x42: {  	_ =	shalt  }
0x43: {  	_ =	shalt  }
0x44: {  	_ =	shalt  }
0x45: {  	_ =	shalt  }
0x46: {  	_ =	shalt  }
0x47: {  	_ =	shalt  }
0x48: {  	_ =	shalt  }
0x49: {  	_ =	shalt  }
0x4a: {  	_ =	shalt  }
0x4b: {  	_ =	shalt  }
0x4c: {  	_ =	shalt  }
0x4d: {  	_ =	shalt  }
0x4e: {  	_ =	shalt  }
0x4f: {  	_ =	shalt  }
0x50: {  	_ =	shalt  }
0x51: {  	_ =	shalt  }
0x52: {  	_ =	shalt  }
0x53: {  	_ =	shalt  }
0x54: {  	_ =	shalt  }
0x55: {  	_ =	shalt  }
0x56: {  	_ =	shalt  }
0x57: {  	_ =	shalt  }
0x58: {  	_ =	shalt  }
0x59: {  	_ =	shalt  }
0x5a: {  	_ =	shalt  }
0x5b: {  	_ =	shalt  }
0x5c: {  	_ =	shalt  }
0x5d: {  	_ =	shalt  }
0x5e: {  	_ =	shalt  }
0x5f: {  	_ =	shalt  }
0x60: {  	_ =	shalt  }
0x61: {  	_ =	shalt  }
0x62: {  	_ =	shalt  }
0x63: {  	_ =	shalt  }
0x64: {  	_ =	shalt  }
0x65: {  	_ =	shalt  }
0x66: {  	_ =	shalt  }
0x67: {  	_ =	shalt  }
0x68: {  	_ =	shalt  }
0x69: {  	_ =	shalt  }
0x6a: {  	_ =	shalt  }
0x6b: {  	_ =	shalt  }
0x6c: {  	_ =	shalt  }
0x6d: {  	_ =	shalt  }
0x6e: {  	_ =	shalt  }
0x6f: {  	_ =	shalt  }
0x70: {  	_ =	shalt  }
0x71: {  	_ =	shalt  }
0x72: {  	_ =	shalt  }
0x73: {  	_ =	shalt  }
0x74: {  	_ =	shalt  }
0x75: {  	_ =	shalt  }
0x76: {  	_ =	shalt  }
0x77: {  	_ =	shalt  }
0x78: {  	_ =	shalt  }
0x79: {  	_ =	shalt  }
0x7a: {  	_ =	shalt  }
0x7b: {  	_ =	shalt  }
0x7c: {  	_ =	shalt  }
0x7d: {  	_ =	shalt  }
0x7e: {  	_ =	shalt  }
0x7f: {  	_ =	shalt  }
0x80: {  	_ =	shalt  }
0x81: {  	_ =	shalt  }
0x82: {  	_ =	shalt  }
0x83: {  	_ =	shalt  }
0x84: {  	_ =	shalt  }
0x85: {  	_ =	shalt  }
0x86: {  	_ =	shalt  }
0x87: {  	_ =	shalt  }
.Lfunc_end0:
.L_simem_size_0:
called_computation_lowered:
.L_overlay_start_0:
0x88: {  	s0 =	sld [smem:$0x3FD9]  }
0x89: {  	s1 =	sld [smem:$0x3FFE];
	_ =	sdelay $0x3  }
0x8a: {  	s0 =	sadd.s32 s1, s0  }
0x8b: {  	[smem:$0x3FC0] =	sst s0  }
0x8c: {  	_ = 	snop  }
0x8d: {  	s0 =	sld [smem:$0x3FC9]  }
0x8e: {  	s16 =	sld [smem:$0x3FC8]  }
0x8f: {  	s2 =	sld [smem:$0x3FC7]  }
0x90: {  	s3 =	sld [smem:$0x3FC6]  }
0x91: {  	s4 =	sld [smem:$0x3FC5]  }
0x92: {  	s5 =	sld [smem:$0x3FC4];
	(tm) =	ssettm $0x1  }
0x93: {  	s6 =	sld [smem:$0x3FFB];
	_ =	sdelay $0x3  }
0x94: {  	_ =	strace s6  }
0x95: {  	s6 =	sld [smem:$0x3FFC];
	_ =	sdelay $0x3  }
0x96: {  	_ =	strace s6  }
0x97: {  	s6 =	sld [smem:$0x3FFD];
	_ =	sdelay $0x3  }
0x98: {  	_ =	strace s6  }
0x99: {  	_ =	strace $0x8FFFFFFF  }
0x9a: {  	s17 =	sld [smem:$0x3FDB];
	_ =	sdelay $0x1  }
0x9b: {  	s7 =	simm.s32 $_scs_section_size  }
0x9c: {  	s8 =	simm.s32 $_size__tile_overlayer_lowered;
	s9 =	simm.s32 $_tile_overlayer_lowered  }
0x9d: {  	s20 =	simm.s32 $0x1BFF;
	s19 =	sshll.u32 s9, $0x1;
	s6 =	sadd.s32 s7, s17  }
0x9e: {  	s10 =	simm.s32 $0x0;
	s18 =	sshll.u32 s8, $0x1;
	s8 =	sadd.s32 s19, s6  }
0x9f: {  	[timem:s10], [sflag:s20] =	dma.local [hbm:s8], s18  }
0xa0: {  	_ =	swait.ge [sflag:s20], s18  }
0xa1: {  	s7 =	ssub.s32 $0x0, s18;
	[sflag:s20] =	ssyncset.done $0x0  }
0xa2: {  	[sflag:s20] =	ssyncadd.s32 s7;
	_ =	sdelay $0x1  }
0xa3: {  	s21 =	simm.s32 $0x1B8B  }
0xa4: {  	_ =	swait.ge [sflag:s21], $0x1  }
0xa5: {  	[sflag:s21] =	ssyncset.done $0x0  }
0xa6: {  	s23 =	simm.s32 $0x1B8E;
	s22 =	sld [smem:$0x3FFE];
	[sflag:s21] =	ssyncadd.s32 $0xFFFFFFFF  }
0xa7: {  	s24 =	simm.s32 $execute0_lowered;
	[smem:$0x3FD2] =	sst s23  }
0xa8: {  	s8 =	sshll.u32 s24, $0x1;
	_ =	strace $0x80000046;
	[dreg:$0x1] =	wrdreg $0xFFFFFFFF  }
0xa9: {  	s25 =	simm.s32 $_size_execute0_lowered;
	s6 =	sadd.s32 s6, s8;
	[dreg:$0x0] =	wrdreg $0x0  }
0xaa: {  	s8 =	sshll.u32 s25, $0x1;
	[dreg:$0x2] =	wrdreg s6  }
0xab: {  	[dreg:$0x3] =	wrdreg s8  }
0xac: {  	[dreg:$0x4] =	wrdreg $0xC0  }
0xad: {  	_ =	task [dreg:s10], $0x5FFFF  }
0xae: {  	[dreg:$0x1] =	wrdreg $0xFFFFFFFF  }
0xaf: {  	[dreg:$0x0] =	wrdreg $0x60  }
0xb0: {  	[dreg:$0x2] =	wrdreg s0  }
0xb1: {  	[dreg:$0x3] =	wrdreg s16  }
0xb2: {  	[dreg:$0x4] =	wrdreg s2  }
0xb3: {  	[dreg:$0x5] =	wrdreg s3  }
0xb4: {  	[dreg:$0x6] =	wrdreg s4  }
0xb5: {  	[dreg:$0x7] =	wrdreg s5  }
0xb6: {  	[dreg:$0x8] =	wrdreg s22  }
0xb7: {  	[dreg:$0x9] =	wrdreg $0x9  }
0xb8: {  	_ =	task.clear_ibuf [dreg:s10], $0xAFFFF;
	_ =	strace $0x90000046  }
0xb9: {  	s26 =	simm.s32 $0x9;
	_ =	strace $0x80000048  }
0xba: {  	_ =	swait.ge [sflag:s26], $0x1  }
0xbb: {  	[sflag:s26] =	ssyncadd.s32 $0xFFFFFFFF  }
0xbc: {  	_ =	strace $0x90000048  }
0xbd: {  	_ =	sfence  }
0xbe: {  	s28 =	sld [smem:$0x0];
	_ =	sdelay $0x1  }
0xbf: {  	s29 =	srdreg.scid  }
0xc0: {  	s30 =	sshll.u32 s29, $0xD;
	s31 =	sshrl.u32 s29, $0x2  }
0xc1: {  	s1 =	sand.u32 $0x1, s29;
	s2 =	sand.u32 $0x4000, s30;
	s0 =	sadd.s32 s31, s28  }
0xc2: {  	s1 =	sor.u32 s2, s1;
	s0 =	sshll.u32 s0, $0x11  }
0xc3: {  	s0 =	sor.u32 s0, s1  }
0xc4: {  	s0 =	sadd.s32 $0x8F2B, s0  }
0xc5: {  	[sflag:s0] =	ssyncadd.remote.s32 $0x1  }
0xc6: {  	_ =	sfence.sel $0xFFFF  }
0xc7: {  	[dreg:$0x0] =	wrdreg $0xFFFFFFFF;
	(pc) =	sbr.abs _section_cstart, $3  }
0xc8: {  	[dreg:$0x1] =	wrdreg $0xFFFFFFFF  }
0xc9: {  	_ =	task.clear_ibuf [dreg:s10], $0x2FFFF;
	_ =	strace $0x9FFFFFFF  }
0xca: {  	(tm) =	ssettm $0x7FFFFFFF  }
0xcb: {  	_ =	shalt  }
tec
execute0_lowered:
.L_overlay_start_1:
0x0: {  	(tag) =	ssettag $0x1  }
0x1: {  	s3 =	rddreg [dreg:$0x0]  }
0x2: {  	s4 =	rddreg [dreg:$0x1]  }
0x3: {  	s6 =	rddreg [dreg:$0x2]  }
0x4: {  	s7 =	rddreg [dreg:$0x3]  }
0x5: {  	s8 =	rddreg [dreg:$0x4]  }
0x6: {  	s9 =	rddreg [dreg:$0x5]  }
0x7: {  	s2 =	rddreg [dreg:$0x6]  }
0x8: {  	s0 =	rddreg [dreg:$0x7];
	s5 =	simm.s32 $0x0;
	s1 =	stileid.u32  }
0x9: {  	[smem:$0x7FF] =	sst s5;
	s10 =	sshll.u32 s1, $0x3  }
0xa: {  	s11 =	simm.s32 $0x4200;
	_ =	strace $0x80000047;
	s6 =	sadd.s32 s6, s10  }
0xb: {  	[tilespmem:s11], [sflag:$0x1] =	stream.linear.gather [hbm4b:s6+s5], $0x40, $0x38;
	[tilespmem:$0x4700] =	vst v63  }
0xc: {  	s25 =	simm.s32 $0x4280;
	s24 =	sadd.s32 s7, s10  }
0xd: {  	[tilespmem:s25], [sflag:$0x1] =	stream.linear.gather [hbm4b:s24+s5], $0x40, $0x38;
	[tilespmem:$0x4700] =	vst v63  }
0xe: {  	s3 =	sadd.s32 s3, s10  }
0xf: {  	[tilespmem:s5], [sflag:$0x2] =	stream.linear.gather [hbm4b:s3+s5], $0x40, $0x38;
	[tilespmem:$0x4700] =	vst v63  }
0x10: {  	s28 =	simm.s32 $0x80;
	s29 =	simm.s32 $0x2;
	s26 =	sadd.s32 s4, s10  }
0x11: {  	[tilespmem:s28], [sflag:$0x2] =	stream.linear.gather [hbm4b:s26+s5], $0x40, $0x38;
	[tilespmem:$0x4700] =	vst v63  }
0x12: {  	_ =	swait.ge [sflag:s29], $0x40  }
0x13: {  	[sflag:s29] =	ssyncset.done $0x0  }
0x14: {  	[sflag:s29] =	ssyncadd.s32 $0xFFFFFFC0  }
0x15: {  	_ =	swait.ge [sflag:s29], $0x40  }
0x16: {  	[sflag:s29] =	ssyncset.done $0x0  }
0x17: {  	s30 =	simm.s32 $0x10;
	s31 =	simm.s32 $0x100;
	[sflag:s29] =	ssyncadd.s32 $0xFFFFFFC0  }
0x18: {  	[tilespmem:s31], [sflag:$0x3] =	stream.indirect.gather [hbm4b:s8+s30], $0x80, s5, s30, $0xb8;
	[tilespmem:$0x4700] =	vst v63  }
0x19: {  	s7 =	simm.s32 $0x2100  }
0x1a: {  	[tilespmem:s7], [sflag:$0x3] =	stream.indirect.gather [hbm4b:s9+s30], $0x80, s28, s30, $0xb8;
	[tilespmem:$0x4700] =	vst v63  }
0x1b: {  	s10 =	simm.s32 $0x900  }
0x1c: {  	[tilespmem:s10], [sflag:$0x4] =	stream.indirect.gather [hbm4b:s8+s30], $0x80, s30, s30, $0xb8;
	[tilespmem:$0x4700] =	vst v63  }
0x1d: {  	s12 =	simm.s32 $0x2900;
	s11 =	simm.s32 $0x90  }
0x1e: {  	[tilespmem:s12], [sflag:$0x4] =	stream.indirect.gather [hbm4b:s9+s30], $0x80, s11, s30, $0xb8;
	[tilespmem:$0x4700] =	vst v63  }
0x1f: {  	s13 =	simm.s32 $0x20;
	s14 =	simm.s32 $0x1100  }
0x20: {  	[tilespmem:s14], [sflag:$0x5] =	stream.indirect.gather [hbm4b:s8+s30], $0x80, s13, s30, $0xb8;
	[tilespmem:$0x4700] =	vst v63  }
0x21: {  	s15 =	simm.s32 $0xA0;
	s16 =	simm.s32 $0x3100  }
0x22: {  	[tilespmem:s16], [sflag:$0x5] =	stream.indirect.gather [hbm4b:s9+s30], $0x80, s15, s30, $0xb8;
	[tilespmem:$0x4700] =	vst v63  }
0x23: {  	s17 =	simm.s32 $0x30;
	s18 =	simm.s32 $0x1900  }
0x24: {  	[tilespmem:s18], [sflag:$0x6] =	stream.indirect.gather [hbm4b:s8+s30], $0x80, s17, s30, $0xb8;
	[tilespmem:$0x4700] =	vst v63  }
0x25: {  	s19 =	simm.s32 $0xB0;
	s20 =	simm.s32 $0x3900  }
0x26: {  	[tilespmem:s20], [sflag:$0x6] =	stream.indirect.gather [hbm4b:s9+s30], $0x80, s19, s30, $0xb8;
	[tilespmem:$0x4700] =	vst v63  }
0x27: {  	s21 =	simm.s32 $0x40;
	s22 =	simm.s32 $0x4100  }
0x28: {  	[tilespmem:s22], [sflag:$0x1] =	stream.indirect.gather [hbm4b:s2+s21], $0x1, s5, s21, $0xb8;
	[tilespmem:$0x4700] =	vst v63  }
0x29: {  	s23 =	sadd.s32 $0x3200, s2;
	s24 =	simm.s32 $0x4180;
	s25 =	simm.s32 $0x1  }
0x2a: {  	[tilespmem:s24], [sflag:$0x1] =	stream.indirect.gather [hbm4b:s23+s21], $0x1, s28, s21, $0xb8;
	[tilespmem:$0x4700] =	vst v63  }
0x2b: {  	_ =	swait.ge [sflag:s25], $0x40  }
0x2c: {  	[sflag:s25] =	ssyncset.done $0x0  }
0x2d: {  	[sflag:s25] =	ssyncadd.s32 $0xFFFFFFC0  }
0x2e: {  	_ =	swait.ge [sflag:s25], $0x40  }
0x2f: {  	[sflag:s25] =	ssyncset.done $0x0  }
0x30: {  	[sflag:s25] =	ssyncadd.s32 $0xFFFFFFC0  }
0x31: {  	_ =	swait.ge [sflag:s25], $0x40  }
0x32: {  	[sflag:s25] =	ssyncset.done $0x0  }
0x33: {  	[sflag:s25] =	ssyncadd.s32 $0xFFFFFFC0  }
0x34: {  	_ =	swait.ge [sflag:s25], $0x40  }
0x35: {  	[sflag:s25] =	ssyncset.done $0x0  }
0x36: {  	s26 =	simm.s32 $0x3;
	[sflag:s25] =	ssyncadd.s32 $0xFFFFFFC0  }
0x37: {  	_ =	swait.ge [sflag:s26], $0x800  }
0x38: {  	[sflag:s26] =	ssyncset.done $0x0  }
0x39: {  	[sflag:s26] =	ssyncadd.s32 $0xFFFFF800  }
0x3a: {  	_ =	swait.ge [sflag:s26], $0x800  }
0x3b: {  	[sflag:s26] =	ssyncset.done $0x0  }
0x3c: {  	s28 =	simm.s32 $0x140;
	[sflag:s26] =	ssyncadd.s32 $0xFFFFF800  }
0x3d: {  	s29 =	simm.s32 $0x2140;
	v0 =	vld [tilespmem:s28+$0xFFFFFFC0]  }
0x3e: {  	v1 =	vld [tilespmem:s29+$0xFFFFFFC0]  }
0x3f: {  	v2 =	vld [tilespmem:s28+$0xFFFFFFD0]  }
0x40: {  	v3 =	vld [tilespmem:s29+$0xFFFFFFD0]  }
0x41: {  	v4 =	vld [tilespmem:s28+$0xFFFFFFE0]  }
0x42: {  	v5 =	vld [tilespmem:s29+$0xFFFFFFE0]  }
0x43: {  	v6 =	vld [tilespmem:s28+$0xFFFFFFF0]  }
0x44: {  	s30 =	simm.s32 $0x1C0;
	v7 =	vld [tilespmem:s29+$0xFFFFFFF0]  }
0x45: {  	v8 =	vld [tilespmem:s30+$0xFFFFFFC0]  }
0x46: {  	v0 =	vmul.f32 v1, v0;
	v1 =	vmul.f32 v3, v2;
	v2 =	vld [tilespmem:s28+$0x0]  }
0x47: {  	v3 =	vld [tilespmem:s29+$0x0]  }
0x48: {  	v0 =	vadd.f32 v1, v0;
	v1 =	vmul.f32 v5, v4;
	v4 =	vld [tilespmem:s28+$0x10]  }
0x49: {  	v5 =	vld [tilespmem:s29+$0x10]  }
0x4a: {  	v0 =	vadd.f32 v1, v0;
	v1 =	vmul.f32 v7, v6;
	v6 =	vld [tilespmem:s28+$0x20]  }
0x4b: {  	v7 =	vld [tilespmem:s29+$0x20]  }
0x4c: {  	v0 =	vadd.f32 v1, v0;
	v1 =	vmul.f32 v3, v2;
	v2 =	vld [tilespmem:s28+$0x30]  }
0x4d: {  	s31 =	simm.s32 $0x21C0;
	v3 =	vld [tilespmem:s29+$0x30]  }
0x4e: {  	v0 =	vadd.f32 v1, v0;
	v1 =	vmul.f32 v5, v4;
	v4 =	vld [tilespmem:s31+$0xFFFFFFC0]  }
0x4f: {  	v5 =	vld [tilespmem:s30+$0xFFFFFFD0]  }
0x50: {  	v0 =	vadd.f32 v1, v0;
	v1 =	vmul.f32 v7, v6;
	v6 =	vld [tilespmem:s31+$0xFFFFFFD0]  }
0x51: {  	v7 =	vld [tilespmem:s30+$0xFFFFFFE0]  }
0x52: {  	v0 =	vadd.f32 v1, v0;
	v1 =	vmul.f32 v3, v2;
	v2 =	vld [tilespmem:s31+$0xFFFFFFE0]  }
0x53: {  	v3 =	vld [tilespmem:s30+$0xFFFFFFF0]  }
0x54: {  	v0 =	vadd.f32 v1, v0;
	v1 =	vld [tilespmem:s31+$0xFFFFFFF0]  }
0x55: {  	v4 =	vmul.f32 v4, v8;
	v5 =	vmul.f32 v6, v5;
	v6 =	vld [tilespmem:s30+$0x0]  }
0x56: {  	(xrf2) =	vadd.scan.msk.f32 $0xffff, v0;
	v0 =	vld [tilespmem:s31+$0x0]  }
0x57: {  	v4 =	vadd.f32 v5, v4;
	v5 =	vld [tilespmem:s30+$0x10]  }
0x58: {  	v2 =	vmul.f32 v2, v7;
	v7 =	vld [tilespmem:s31+$0x10];
	_ =	sdelay $0x1  }
0x59: {  	v10 =	vld [tilespmem:s30+$0x20]  }
0x5a: {  	v11 =	vld [tilespmem:s31+$0x20];
	v2 =	vadd.f32 v2, v4;
	v1 =	vmul.f32 v1, v3;
	_ =	sdelay $0x1  }
0x5b: {  	v3 =	vadd.f32 v1, v2;
	v4 =	vmul.f32 v0, v6;
	v0 =	vld [tilespmem:s30+$0x30];
	v6 =	vmul.f32 v7, v5  }
0x5c: {  	s6 =	simm.s32 $0x240;
	v1 =	vld [tilespmem:s31+$0x30]  }
0x5d: {  	s7 =	simm.s32 $0x2240;
	v9 =	vld [tilespmem:s6+$0xFFFFFFD0];
	v3 =	vadd.f32 v4, v3  }
0x5e: {  	v10 =	vmul.f32 v11, v10;
	v11 =	vld [tilespmem:s7+$0xFFFFFFD0]  }
0x5f: {  	s4 =	simm.s32 $0x1;
	v8 =	vld [tilespmem:s7+$0xFFFFFFC0];
	v5 =	vimm.f32 $0.0e+00;
	v3 =	vadd.f32 v6, v3;
	v6, _, _ =	vpop (xrf2)  }
0x60: {  	s3 =	simm.s32 $0x2;
	s8 =	simm.s32 $0x3;
	s2 =	sadd.s32 $0x6400, s2;
	v2 =	vld [tilespmem:s6+$0xFFFFFFC0];
	v7 =	vmov s5;
	v4 =	vlaneseq.u32;
	v6 =	vbroadcast v6, $0xF  }
.LBB2_1:
0x61: {  	p0 =	sne.s32 s8, $0xF;
	v12 =	vld [tilespmem:s6+$0xFFFFFFE0];
	v3 =	vadd.f32 v10, v3;
	v0 =	vmul.f32 v1, v0;
	vm0 =	veq.s32 v7, v4  }
0x62: {  	v1 =	vld [tilespmem:s7+$0xFFFFFFE0];
	v5 =	vsel vm0, v6, v5  }
0x63: {  	v6 =	vld [tilespmem:s6+$0xFFFFFFF0];
	v0 =	vadd.f32 v0, v3  }
0x64: {  	v3 =	vld [tilespmem:s7+$0xFFFFFFF0]  }
0x65: {  	v2 =	vmul.f32 v8, v2;
	v7 =	vmul.f32 v11, v9;
	v8 =	vld [tilespmem:s6+$0x0];
	(xrf2) =	vadd.scan.msk.f32 $0xffff, v0  }
0x66: {  	v0 =	vld [tilespmem:s7+$0x0]  }
0x67: {  	v2 =	vadd.f32 v7, v2;
	v1 =	vmul.f32 v1, v12;
	v7 =	vld [tilespmem:s6+$0x10]  }
0x68: {  	v9 =	vld [tilespmem:s7+$0x10]  }
0x69: {  	v1 =	vadd.f32 v1, v2;
	v2 =	vmul.f32 v3, v6;
	v6 =	vld [tilespmem:s6+$0x20]  }
0x6a: {  	v10 =	vld [tilespmem:s7+$0x20]  }
0x6b: {  	v3 =	vadd.f32 v2, v1;
	v8 =	vmul.f32 v0, v8;
	v0 =	vld [tilespmem:s6+$0x30]  }
.Ltmp0:
0x6c: {  	s6 =	sadd.s32 $0x80, s6;
	v1 =	vld [tilespmem:s7+$0x30];
	(pc) =	sbr.rel @p0 .LBB2_1-.Ltmp0, $4  }
0x6d: {  	s7 =	sadd.s32 $0x80, s7;
	v2 =	vld [tilespmem:s6+$0xFFFFFFC0];
	v3 =	vadd.f32 v8, v3;
	v7 =	vmul.f32 v9, v7  }
0x6e: {  	v8 =	vld [tilespmem:s7+$0xFFFFFFC0]  }
0x6f: {  	v9 =	vld [tilespmem:s6+$0xFFFFFFD0];
	v3 =	vadd.f32 v7, v3;
	v10 =	vmul.f32 v10, v6;
	v6, _, _ =	vpop (xrf2)  }
0x70: {  	v7 =	vmov s4;
	s4 =	smov.u32 s3;
	s3 =	smov.u32 s8;
	s8 =	sadd.s32 $0x1, s8;
	v11 =	vld [tilespmem:s7+$0xFFFFFFD0];
	v6 =	vbroadcast v6, $0xF  }
0x71: {  	v12 =	vld [tilespmem:s6+$0xFFFFFFE0]  }
0x72: {  	v13 =	vld [tilespmem:s7+$0xFFFFFFE0]  }
0x73: {  	v14 =	vld [tilespmem:s6+$0xFFFFFFF0]  }
0x74: {  	v15 =	vld [tilespmem:s7+$0xFFFFFFF0]  }
0x75: {  	v2 =	vmul.f32 v8, v2;
	v8 =	vmul.f32 v11, v9;
	v9 =	vld [tilespmem:s6+$0x0]  }
0x76: {  	v11 =	vld [tilespmem:s7+$0x0]  }
0x77: {  	v2 =	vadd.f32 v8, v2;
	v8 =	vmul.f32 v13, v12;
	v12 =	vld [tilespmem:s6+$0x10]  }
0x78: {  	v13 =	vld [tilespmem:s7+$0x10]  }
0x79: {  	v2 =	vadd.f32 v8, v2;
	v8 =	vmul.f32 v15, v14;
	v14 =	vld [tilespmem:s6+$0x20]  }
0x7a: {  	v15 =	vld [tilespmem:s7+$0x20]  }
0x7b: {  	v2 =	vadd.f32 v8, v2;
	v8 =	vmul.f32 v11, v9;
	v9 =	vld [tilespmem:s6+$0x30]  }
0x7c: {  	v11 =	vld [tilespmem:s7+$0x30]  }
0x7d: {  	v2 =	vadd.f32 v8, v2;
	v8 =	vmul.f32 v13, v12;
	_ =	sdelay $0x1  }
0x7e: {  	v2 =	vadd.f32 v8, v2;
	v8 =	vmul.f32 v15, v14  }
0x7f: {  	v3 =	vadd.f32 v10, v3;
	v0 =	vmul.f32 v1, v0  }
0x80: {  	v1 =	vadd.f32 v8, v2;
	v2 =	vmul.f32 v11, v9  }
0x81: {  	v0 =	vadd.f32 v0, v3  }
0x82: {  	v1 =	vadd.f32 v2, v1  }
0x83: {  	(xrf2) =	vadd.scan.msk.f32 $0xffff, v0  }
0x84: {  	(xrf2) =	vadd.scan.msk.f32 $0xffff, v1;
	_ =	sdelay $0x7  }
0x85: {  	v3 =	vld [tilespmem:$0x4200]  }
0x86: {  	v0 =	vld [tilespmem:$0x4280];
	v8, _, _ =	vpop (xrf2)  }
0x87: {  	s5 =	simm.s32 $0x4;
	v2 =	vld [tilespmem:$0x4180];
	v9, _, _ =	vpop (xrf2)  }
0x88: {  	v1 =	vld [tilespmem:$0x4100];
	_ =	swait.ge [sflag:s5], $0x800  }
0x89: {  	[sflag:s5] =	ssyncset.done $0x0  }
0x8a: {  	[sflag:s5] =	ssyncadd.s32 $0xFFFFF800  }
0x8b: {  	_ =	swait.ge [sflag:s5], $0x800  }
0x8c: {  	[sflag:s5] =	ssyncset.done $0x0  }
0x8d: {  	s28 =	simm.s32 $0x970;
	[sflag:s5] =	ssyncadd.s32 $0xFFFFF800  }
0x8e: {  	s29 =	simm.s32 $0x2970;
	v10 =	vld [tilespmem:s28+$0xFFFFFF90]  }
0x8f: {  	v11 =	vld [tilespmem:s29+$0xFFFFFF90]  }
0x90: {  	v12 =	vld [tilespmem:s28+$0xFFFFFFA0]  }
0x91: {  	v13 =	vld [tilespmem:s29+$0xFFFFFFA0]  }
0x92: {  	v14 =	vld [tilespmem:s28+$0xFFFFFFB0]  }
0x93: {  	v15 =	vld [tilespmem:s29+$0xFFFFFFB0]  }
0x94: {  	v16 =	vld [tilespmem:s28+$0xFFFFFFC0]  }
0x95: {  	v17 =	vld [tilespmem:s29+$0xFFFFFFC0]  }
0x96: {  	v10 =	vmul.f32 v11, v10;
	v11 =	vmul.f32 v13, v12;
	v12 =	vld [tilespmem:s28+$0xFFFFFFD0]  }
0x97: {  	v13 =	vld [tilespmem:s29+$0xFFFFFFD0]  }
0x98: {  	v10 =	vadd.f32 v11, v10;
	v11 =	vmul.f32 v15, v14;
	v14 =	vld [tilespmem:s28+$0xFFFFFFE0]  }
0x99: {  	v15 =	vld [tilespmem:s29+$0xFFFFFFE0]  }
0x9a: {  	v10 =	vadd.f32 v11, v10;
	v11 =	vmul.f32 v17, v16;
	v16 =	vld [tilespmem:s28+$0xFFFFFFF0]  }
0x9b: {  	v17 =	vld [tilespmem:s29+$0xFFFFFFF0]  }
0x9c: {  	v10 =	vadd.f32 v11, v10;
	v11 =	vmul.f32 v13, v12;
	v12 =	vld [tilespmem:s28+$0x0]  }
0x9d: {  	s30 =	simm.s32 $0x9F0;
	v13 =	vld [tilespmem:s29+$0x0]  }
0x9e: {  	s31 =	simm.s32 $0x29F0;
	v18 =	vld [tilespmem:s30+$0xFFFFFF90];
	v10 =	vadd.f32 v11, v10;
	v11 =	vmul.f32 v15, v14  }
0x9f: {  	v14 =	vld [tilespmem:s31+$0xFFFFFF90]  }
0xa0: {  	v15 =	vld [tilespmem:s30+$0xFFFFFFA0];
	v10 =	vadd.f32 v11, v10;
	v11 =	vmul.f32 v17, v16  }
0xa1: {  	v16 =	vld [tilespmem:s31+$0xFFFFFFA0]  }
0xa2: {  	v17 =	vld [tilespmem:s30+$0xFFFFFFB0];
	v10 =	vadd.f32 v11, v10;
	v11 =	vmul.f32 v13, v12  }
0xa3: {  	v12 =	vld [tilespmem:s31+$0xFFFFFFB0]  }
0xa4: {  	v13 =	vld [tilespmem:s30+$0xFFFFFFC0];
	v10 =	vadd.f32 v11, v10  }
0xa5: {  	v11 =	vld [tilespmem:s31+$0xFFFFFFC0]  }
0xa6: {  	v14 =	vmul.f32 v14, v18;
	v15 =	vmul.f32 v16, v15;
	v16 =	vld [tilespmem:s30+$0xFFFFFFD0];
	(xrf2) =	vadd.scan.msk.f32 $0xffff, v10  }
0xa7: {  	v10 =	vld [tilespmem:s31+$0xFFFFFFD0]  }
0xa8: {  	v14 =	vadd.f32 v15, v14;
	v12 =	vmul.f32 v12, v17;
	v15 =	vld [tilespmem:s30+$0xFFFFFFE0]  }
0xa9: {  	v17 =	vld [tilespmem:s31+$0xFFFFFFE0]  }
0xaa: {  	vm0 =	veq.s32 v7, v4;
	v18 =	vld [tilespmem:s31+$0xFFFFFFF0];
	v12 =	vadd.f32 v12, v14;
	v7 =	vmul.f32 v11, v13  }
0xab: {  	v6 =	vsel vm0, v6, v5;
	v5 =	vmov s4;
	v8 =	vbroadcast v8, $0xF;
	v11 =	vld [tilespmem:s30+$0xFFFFFFF0]  }
0xac: {  	vm14 =	veq.s32 v5, v4;
	v5 =	vld [tilespmem:s30+$0x0];
	v12 =	vadd.f32 v7, v12;
	v10 =	vmul.f32 v10, v16  }
0xad: {  	s6 =	simm.s32 $0x2A70;
	v8 =	vsel vm14, v8, v6;
	v9 =	vbroadcast v9, $0xF;
	v6 =	vld [tilespmem:s31+$0x0];
	v7 =	vmov s3  }
0xae: {  	s5 =	simm.s32 $0xA70;
	v13 =	vld [tilespmem:s6+$0xFFFFFF90];
	vm15 =	veq.s32 v7, v4;
	v15 =	vmul.f32 v17, v15;
	v12 =	vadd.f32 v10, v12  }
0xaf: {  	v14 =	vld [tilespmem:s5+$0xFFFFFFA0];
	v4 =	vsel vm15, v9, v8  }
0xb0: {  	s8 =	simm.s32 $0x0;
	v16 =	vld [tilespmem:s6+$0xFFFFFFA0];
	v10 =	vimm.f32 $0.0e+00;
	v8 =	vadd.f32 v15, v12;
	v15 =	vmul.f32 v18, v11;
	v17, _, _ =	vpop (xrf2)  }
0xb1: {  	s4 =	simm.s32 $0x1;
	s7 =	simm.s32 $0x3;
	s3 =	simm.s32 $0x2;
	v7 =	vld [tilespmem:s5+$0xFFFFFF90];
	v9 =	vlaneseq.u32;
	v12 =	vmov s8;
	v11 =	vbroadcast v17, $0xF  }
.LBB2_3:
0xb2: {  	p0 =	sne.s32 s7, $0xF;
	v17 =	vld [tilespmem:s5+$0xFFFFFFB0];
	v8 =	vadd.f32 v15, v8;
	v5 =	vmul.f32 v6, v5;
	vm0 =	veq.s32 v12, v9  }
0xb3: {  	v6 =	vld [tilespmem:s6+$0xFFFFFFB0];
	v10 =	vsel vm0, v11, v10  }
0xb4: {  	v11 =	vld [tilespmem:s5+$0xFFFFFFC0];
	v5 =	vadd.f32 v5, v8  }
0xb5: {  	v8 =	vld [tilespmem:s6+$0xFFFFFFC0]  }
0xb6: {  	v7 =	vmul.f32 v13, v7;
	v12 =	vmul.f32 v16, v14;
	v13 =	vld [tilespmem:s5+$0xFFFFFFD0];
	(xrf2) =	vadd.scan.msk.f32 $0xffff, v5  }
0xb7: {  	v5 =	vld [tilespmem:s6+$0xFFFFFFD0]  }
0xb8: {  	v7 =	vadd.f32 v12, v7;
	v6 =	vmul.f32 v6, v17;
	v12 =	vld [tilespmem:s5+$0xFFFFFFE0]  }
0xb9: {  	v14 =	vld [tilespmem:s6+$0xFFFFFFE0]  }
0xba: {  	v6 =	vadd.f32 v6, v7;
	v7 =	vmul.f32 v8, v11;
	v11 =	vld [tilespmem:s5+$0xFFFFFFF0]  }
0xbb: {  	v15 =	vld [tilespmem:s6+$0xFFFFFFF0]  }
0xbc: {  	v8 =	vadd.f32 v7, v6;
	v13 =	vmul.f32 v5, v13;
	v5 =	vld [tilespmem:s5+$0x0]  }
.Ltmp1:
0xbd: {  	s5 =	sadd.s32 $0x80, s5;
	v6 =	vld [tilespmem:s6+$0x0];
	(pc) =	sbr.rel @p0 .LBB2_3-.Ltmp1, $4  }
0xbe: {  	s6 =	sadd.s32 $0x80, s6;
	v7 =	vld [tilespmem:s5+$0xFFFFFF90];
	v8 =	vadd.f32 v13, v8;
	v12 =	vmul.f32 v14, v12  }
0xbf: {  	v13 =	vld [tilespmem:s6+$0xFFFFFF90]  }
0xc0: {  	v14 =	vld [tilespmem:s5+$0xFFFFFFA0];
	v8 =	vadd.f32 v12, v8;
	v15 =	vmul.f32 v15, v11;
	v11, _, _ =	vpop (xrf2)  }
0xc1: {  	v12 =	vmov s4;
	s4 =	smov.u32 s3;
	s3 =	smov.u32 s7;
	s7 =	sadd.s32 $0x1, s7;
	v16 =	vld [tilespmem:s6+$0xFFFFFFA0];
	v11 =	vbroadcast v11, $0xF  }
0xc2: {  	v17 =	vld [tilespmem:s5+$0xFFFFFFB0]  }
0xc3: {  	v18 =	vld [tilespmem:s6+$0xFFFFFFB0]  }
0xc4: {  	v19 =	vld [tilespmem:s5+$0xFFFFFFC0]  }
0xc5: {  	v20 =	vld [tilespmem:s6+$0xFFFFFFC0]  }
0xc6: {  	v7 =	vmul.f32 v13, v7;
	v13 =	vmul.f32 v16, v14;
	v14 =	vld [tilespmem:s5+$0xFFFFFFD0]  }
0xc7: {  	v16 =	vld [tilespmem:s6+$0xFFFFFFD0]  }
0xc8: {  	v7 =	vadd.f32 v13, v7;
	v13 =	vmul.f32 v18, v17;
	v17 =	vld [tilespmem:s5+$0xFFFFFFE0]  }
0xc9: {  	v18 =	vld [tilespmem:s6+$0xFFFFFFE0]  }
0xca: {  	v7 =	vadd.f32 v13, v7;
	v13 =	vmul.f32 v20, v19;
	v19 =	vld [tilespmem:s5+$0xFFFFFFF0]  }
0xcb: {  	v20 =	vld [tilespmem:s6+$0xFFFFFFF0]  }
0xcc: {  	v7 =	vadd.f32 v13, v7;
	v13 =	vmul.f32 v16, v14;
	v14 =	vld [tilespmem:s5+$0x0]  }
0xcd: {  	v16 =	vld [tilespmem:s6+$0x0]  }
0xce: {  	v7 =	vadd.f32 v13, v7;
	v13 =	vmul.f32 v18, v17;
	_ =	sdelay $0x1  }
0xcf: {  	v7 =	vadd.f32 v13, v7;
	v13 =	vmul.f32 v20, v19  }
0xd0: {  	v8 =	vadd.f32 v15, v8;
	v5 =	vmul.f32 v6, v5  }
0xd1: {  	v6 =	vadd.f32 v13, v7;
	v7 =	vmul.f32 v16, v14  }
0xd2: {  	v5 =	vadd.f32 v5, v8  }
0xd3: {  	v6 =	vadd.f32 v7, v6  }
0xd4: {  	(xrf2) =	vadd.scan.msk.f32 $0xffff, v5  }
0xd5: {  	(xrf2) =	vadd.scan.msk.f32 $0xffff, v6;
	_ =	sdelay $0x7  }
0xd6: {  	v8 =	vld [tilespmem:$0x4210]  }
0xd7: {  	v5 =	vld [tilespmem:$0x4290];
	v13, _, _ =	vpop (xrf2)  }
0xd8: {  	s26 =	simm.s32 $0x5;
	v7 =	vld [tilespmem:$0x4190];
	v14, _, _ =	vpop (xrf2)  }
0xd9: {  	v6 =	vld [tilespmem:$0x4110];
	_ =	swait.ge [sflag:s26], $0x800  }
0xda: {  	[sflag:s26] =	ssyncset.done $0x0  }
0xdb: {  	[sflag:s26] =	ssyncadd.s32 $0xFFFFF800  }
0xdc: {  	_ =	swait.ge [sflag:s26], $0x800  }
0xdd: {  	[sflag:s26] =	ssyncset.done $0x0  }
0xde: {  	s28 =	simm.s32 $0x1170;
	[sflag:s26] =	ssyncadd.s32 $0xFFFFF800  }
0xdf: {  	s29 =	simm.s32 $0x3170;
	v15 =	vld [tilespmem:s28+$0xFFFFFF90]  }
0xe0: {  	v16 =	vld [tilespmem:s29+$0xFFFFFF90]  }
0xe1: {  	v17 =	vld [tilespmem:s28+$0xFFFFFFA0]  }
0xe2: {  	v18 =	vld [tilespmem:s29+$0xFFFFFFA0]  }
0xe3: {  	v19 =	vld [tilespmem:s28+$0xFFFFFFB0]  }
0xe4: {  	v20 =	vld [tilespmem:s29+$0xFFFFFFB0]  }
0xe5: {  	v21 =	vld [tilespmem:s28+$0xFFFFFFC0]  }
0xe6: {  	v22 =	vld [tilespmem:s29+$0xFFFFFFC0]  }
0xe7: {  	v15 =	vmul.f32 v16, v15;
	v16 =	vmul.f32 v18, v17;
	v17 =	vld [tilespmem:s28+$0xFFFFFFD0]  }
0xe8: {  	v18 =	vld [tilespmem:s29+$0xFFFFFFD0]  }
0xe9: {  	v15 =	vadd.f32 v16, v15;
	v16 =	vmul.f32 v20, v19;
	v19 =	vld [tilespmem:s28+$0xFFFFFFE0]  }
0xea: {  	v20 =	vld [tilespmem:s29+$0xFFFFFFE0]  }
0xeb: {  	v15 =	vadd.f32 v16, v15;
	v16 =	vmul.f32 v22, v21;
	v21 =	vld [tilespmem:s28+$0xFFFFFFF0]  }
0xec: {  	v22 =	vld [tilespmem:s29+$0xFFFFFFF0]  }
0xed: {  	v15 =	vadd.f32 v16, v15;
	v16 =	vmul.f32 v18, v17;
	v17 =	vld [tilespmem:s28+$0x0]  }
0xee: {  	s30 =	simm.s32 $0x11F0;
	v18 =	vld [tilespmem:s29+$0x0]  }
0xef: {  	s31 =	simm.s32 $0x31F0;
	v23 =	vld [tilespmem:s30+$0xFFFFFF90];
	v15 =	vadd.f32 v16, v15;
	v16 =	vmul.f32 v20, v19  }
0xf0: {  	v19 =	vld [tilespmem:s31+$0xFFFFFF90]  }
0xf1: {  	v20 =	vld [tilespmem:s30+$0xFFFFFFA0];
	v15 =	vadd.f32 v16, v15;
	v16 =	vmul.f32 v22, v21  }
0xf2: {  	v21 =	vld [tilespmem:s31+$0xFFFFFFA0]  }
0xf3: {  	v22 =	vld [tilespmem:s30+$0xFFFFFFB0];
	v15 =	vadd.f32 v16, v15;
	v16 =	vmul.f32 v18, v17  }
0xf4: {  	v17 =	vld [tilespmem:s31+$0xFFFFFFB0]  }
0xf5: {  	v18 =	vld [tilespmem:s30+$0xFFFFFFC0];
	v15 =	vadd.f32 v16, v15  }
0xf6: {  	v16 =	vld [tilespmem:s31+$0xFFFFFFC0]  }
0xf7: {  	v19 =	vmul.f32 v19, v23;
	v20 =	vmul.f32 v21, v20;
	v21 =	vld [tilespmem:s30+$0xFFFFFFD0];
	(xrf2) =	vadd.scan.msk.f32 $0xffff, v15  }
0xf8: {  	v15 =	vld [tilespmem:s31+$0xFFFFFFD0]  }
0xf9: {  	v19 =	vadd.f32 v20, v19;
	v17 =	vmul.f32 v17, v22;
	v20 =	vld [tilespmem:s30+$0xFFFFFFE0]  }
0xfa: {  	v22 =	vld [tilespmem:s31+$0xFFFFFFE0]  }
0xfb: {  	vm0 =	veq.s32 v12, v9;
	v23 =	vld [tilespmem:s31+$0xFFFFFFF0];
	v17 =	vadd.f32 v17, v19;
	v12 =	vmul.f32 v16, v18  }
0xfc: {  	v11 =	vsel vm0, v11, v10;
	v10 =	vmov s4;
	v13 =	vbroadcast v13, $0xF;
	v16 =	vld [tilespmem:s30+$0xFFFFFFF0]  }
0xfd: {  	vm14 =	veq.s32 v10, v9;
	v10 =	vld [tilespmem:s30+$0x0];
	v17 =	vadd.f32 v12, v17;
	v15 =	vmul.f32 v15, v21  }
0xfe: {  	s6 =	simm.s32 $0x3270;
	v13 =	vsel vm14, v13, v11;
	v14 =	vbroadcast v14, $0xF;
	v11 =	vld [tilespmem:s31+$0x0];
	v12 =	vmov s3  }
0xff: {  	s5 =	simm.s32 $0x1270;
	v18 =	vld [tilespmem:s6+$0xFFFFFF90];
	vm15 =	veq.s32 v12, v9;
	v20 =	vmul.f32 v22, v20;
	v17 =	vadd.f32 v15, v17  }
0x100: {  	v19 =	vld [tilespmem:s5+$0xFFFFFFA0];
	v9 =	vsel vm15, v14, v13  }
0x101: {  	s8 =	simm.s32 $0x0;
	v21 =	vld [tilespmem:s6+$0xFFFFFFA0];
	v15 =	vimm.f32 $0.0e+00;
	v13 =	vadd.f32 v20, v17;
	v20 =	vmul.f32 v23, v16;
	v22, _, _ =	vpop (xrf2)  }
0x102: {  	s7 =	simm.s32 $0x3;
	s4 =	simm.s32 $0x1;
	s3 =	simm.s32 $0x2;
	v12 =	vld [tilespmem:s5+$0xFFFFFF90];
	v14 =	vlaneseq.u32;
	v17 =	vmov s8;
	v16 =	vbroadcast v22, $0xF  }
.LBB2_5:
0x103: {  	p0 =	sne.s32 s7, $0xF;
	v22 =	vld [tilespmem:s5+$0xFFFFFFB0];
	v13 =	vadd.f32 v20, v13;
	v10 =	vmul.f32 v11, v10;
	vm0 =	veq.s32 v17, v14  }
0x104: {  	v11 =	vld [tilespmem:s6+$0xFFFFFFB0];
	v15 =	vsel vm0, v16, v15  }
0x105: {  	v16 =	vld [tilespmem:s5+$0xFFFFFFC0];
	v10 =	vadd.f32 v10, v13  }
0x106: {  	v13 =	vld [tilespmem:s6+$0xFFFFFFC0]  }
0x107: {  	v12 =	vmul.f32 v18, v12;
	v17 =	vmul.f32 v21, v19;
	v18 =	vld [tilespmem:s5+$0xFFFFFFD0];
	(xrf2) =	vadd.scan.msk.f32 $0xffff, v10  }
0x108: {  	v10 =	vld [tilespmem:s6+$0xFFFFFFD0]  }
0x109: {  	v12 =	vadd.f32 v17, v12;
	v11 =	vmul.f32 v11, v22;
	v17 =	vld [tilespmem:s5+$0xFFFFFFE0]  }
0x10a: {  	v19 =	vld [tilespmem:s6+$0xFFFFFFE0]  }
0x10b: {  	v11 =	vadd.f32 v11, v12;
	v12 =	vmul.f32 v13, v16;
	v16 =	vld [tilespmem:s5+$0xFFFFFFF0]  }
0x10c: {  	v20 =	vld [tilespmem:s6+$0xFFFFFFF0]  }
0x10d: {  	v13 =	vadd.f32 v12, v11;
	v18 =	vmul.f32 v10, v18;
	v10 =	vld [tilespmem:s5+$0x0]  }
.Ltmp2:
0x10e: {  	s5 =	sadd.s32 $0x80, s5;
	v11 =	vld [tilespmem:s6+$0x0];
	(pc) =	sbr.rel @p0 .LBB2_5-.Ltmp2, $4  }
0x10f: {  	s6 =	sadd.s32 $0x80, s6;
	v12 =	vld [tilespmem:s5+$0xFFFFFF90];
	v13 =	vadd.f32 v18, v13;
	v17 =	vmul.f32 v19, v17  }
0x110: {  	v18 =	vld [tilespmem:s6+$0xFFFFFF90]  }
0x111: {  	v19 =	vld [tilespmem:s5+$0xFFFFFFA0];
	v13 =	vadd.f32 v17, v13;
	v20 =	vmul.f32 v20, v16;
	v16, _, _ =	vpop (xrf2)  }
0x112: {  	v17 =	vmov s4;
	s4 =	smov.u32 s3;
	s3 =	smov.u32 s7;
	s7 =	sadd.s32 $0x1, s7;
	v21 =	vld [tilespmem:s6+$0xFFFFFFA0];
	v16 =	vbroadcast v16, $0xF  }
0x113: {  	v22 =	vld [tilespmem:s5+$0xFFFFFFB0]  }
0x114: {  	v23 =	vld [tilespmem:s6+$0xFFFFFFB0]  }
0x115: {  	v24 =	vld [tilespmem:s5+$0xFFFFFFC0]  }
0x116: {  	v25 =	vld [tilespmem:s6+$0xFFFFFFC0]  }
0x117: {  	v12 =	vmul.f32 v18, v12;
	v18 =	vmul.f32 v21, v19;
	v19 =	vld [tilespmem:s5+$0xFFFFFFD0]  }
0x118: {  	v21 =	vld [tilespmem:s6+$0xFFFFFFD0]  }
0x119: {  	v12 =	vadd.f32 v18, v12;
	v18 =	vmul.f32 v23, v22;
	v22 =	vld [tilespmem:s5+$0xFFFFFFE0]  }
0x11a: {  	v23 =	vld [tilespmem:s6+$0xFFFFFFE0]  }
0x11b: {  	v12 =	vadd.f32 v18, v12;
	v18 =	vmul.f32 v25, v24;
	v24 =	vld [tilespmem:s5+$0xFFFFFFF0]  }
0x11c: {  	v25 =	vld [tilespmem:s6+$0xFFFFFFF0]  }
0x11d: {  	v12 =	vadd.f32 v18, v12;
	v18 =	vmul.f32 v21, v19;
	v19 =	vld [tilespmem:s5+$0x0]  }
0x11e: {  	v21 =	vld [tilespmem:s6+$0x0]  }
0x11f: {  	v12 =	vadd.f32 v18, v12;
	v18 =	vmul.f32 v23, v22;
	_ =	sdelay $0x1  }
0x120: {  	v12 =	vadd.f32 v18, v12;
	v18 =	vmul.f32 v25, v24  }
0x121: {  	v13 =	vadd.f32 v20, v13;
	v10 =	vmul.f32 v11, v10  }
0x122: {  	v11 =	vadd.f32 v18, v12;
	v12 =	vmul.f32 v21, v19  }
0x123: {  	v10 =	vadd.f32 v10, v13  }
0x124: {  	v11 =	vadd.f32 v12, v11  }
0x125: {  	(xrf2) =	vadd.scan.msk.f32 $0xffff, v10  }
0x126: {  	(xrf2) =	vadd.scan.msk.f32 $0xffff, v11;
	_ =	sdelay $0x7  }
0x127: {  	v13 =	vld [tilespmem:$0x4220]  }
0x128: {  	v10 =	vld [tilespmem:$0x42A0];
	v18, _, _ =	vpop (xrf2)  }
0x129: {  	s26 =	simm.s32 $0x6;
	v12 =	vld [tilespmem:$0x41A0];
	v19, _, _ =	vpop (xrf2)  }
0x12a: {  	v11 =	vld [tilespmem:$0x4120];
	_ =	swait.ge [sflag:s26], $0x800  }
0x12b: {  	[sflag:s26] =	ssyncset.done $0x0  }
0x12c: {  	[sflag:s26] =	ssyncadd.s32 $0xFFFFF800  }
0x12d: {  	_ =	swait.ge [sflag:s26], $0x800  }
0x12e: {  	[sflag:s26] =	ssyncset.done $0x0  }
0x12f: {  	s28 =	simm.s32 $0x1970;
	[sflag:s26] =	ssyncadd.s32 $0xFFFFF800  }
0x130: {  	s29 =	simm.s32 $0x3970;
	v20 =	vld [tilespmem:s28+$0xFFFFFF90]  }
0x131: {  	v21 =	vld [tilespmem:s29+$0xFFFFFF90]  }
0x132: {  	v22 =	vld [tilespmem:s28+$0xFFFFFFA0]  }
0x133: {  	v23 =	vld [tilespmem:s29+$0xFFFFFFA0]  }
0x134: {  	v24 =	vld [tilespmem:s28+$0xFFFFFFB0]  }
0x135: {  	v25 =	vld [tilespmem:s29+$0xFFFFFFB0]  }
0x136: {  	v26 =	vld [tilespmem:s28+$0xFFFFFFC0]  }
0x137: {  	s30 =	simm.s32 $0x19F0;
	v27 =	vld [tilespmem:s29+$0xFFFFFFC0]  }
0x138: {  	v28 =	vld [tilespmem:s30+$0xFFFFFF90]  }
0x139: {  	v20 =	vmul.f32 v21, v20;
	v21 =	vmul.f32 v23, v22;
	v22 =	vld [tilespmem:s28+$0xFFFFFFD0]  }
0x13a: {  	v23 =	vld [tilespmem:s29+$0xFFFFFFD0]  }
0x13b: {  	v20 =	vadd.f32 v21, v20;
	v21 =	vmul.f32 v25, v24;
	v24 =	vld [tilespmem:s28+$0xFFFFFFE0]  }
0x13c: {  	v25 =	vld [tilespmem:s29+$0xFFFFFFE0]  }
0x13d: {  	v20 =	vadd.f32 v21, v20;
	v21 =	vmul.f32 v27, v26;
	v26 =	vld [tilespmem:s28+$0xFFFFFFF0]  }
0x13e: {  	v27 =	vld [tilespmem:s29+$0xFFFFFFF0]  }
0x13f: {  	v20 =	vadd.f32 v21, v20;
	v21 =	vmul.f32 v23, v22;
	v22 =	vld [tilespmem:s28+$0x0]  }
0x140: {  	s31 =	simm.s32 $0x39F0;
	v23 =	vld [tilespmem:s29+$0x0]  }
0x141: {  	v20 =	vadd.f32 v21, v20;
	v21 =	vmul.f32 v25, v24;
	v24 =	vld [tilespmem:s31+$0xFFFFFF90]  }
0x142: {  	v25 =	vld [tilespmem:s30+$0xFFFFFFA0]  }
0x143: {  	v20 =	vadd.f32 v21, v20;
	v21 =	vmul.f32 v27, v26;
	v26 =	vld [tilespmem:s31+$0xFFFFFFA0]  }
0x144: {  	v27 =	vld [tilespmem:s30+$0xFFFFFFB0]  }
0x145: {  	v20 =	vadd.f32 v21, v20;
	v21 =	vmul.f32 v23, v22;
	v22 =	vld [tilespmem:s31+$0xFFFFFFB0]  }
0x146: {  	v23 =	vld [tilespmem:s30+$0xFFFFFFC0]  }
0x147: {  	v20 =	vadd.f32 v21, v20;
	v21 =	vld [tilespmem:s31+$0xFFFFFFC0]  }
0x148: {  	v24 =	vmul.f32 v24, v28;
	v25 =	vmul.f32 v26, v25;
	v26 =	vld [tilespmem:s30+$0xFFFFFFD0]  }
0x149: {  	(xrf2) =	vadd.scan.msk.f32 $0xffff, v20;
	v20 =	vld [tilespmem:s31+$0xFFFFFFD0]  }
0x14a: {  	vm0 =	veq.s32 v17, v14;
	v24 =	vadd.f32 v25, v24;
	v22 =	vmul.f32 v22, v27  }
0x14b: {  	v15 =	vsel vm0, v16, v15  }
0x14c: {  	v16 =	vmov s4;
	v25 =	vld [tilespmem:s30+$0xFFFFFFE0];
	v22 =	vadd.f32 v22, v24;
	v17 =	vmul.f32 v21, v23  }
0x14d: {  	vm14 =	veq.s32 v16, v14;
	v27 =	vld [tilespmem:s31+$0xFFFFFFE0]  }
0x14e: {  	v18 =	vbroadcast v18, $0xF;
	v63 =	vld [tilespmem:s31+$0xFFFFFFF0];
	v16 =	vadd.f32 v17, v22;
	v20 =	vmul.f32 v20, v26  }
0x14f: {  	v21 =	vld [tilespmem:s30+$0xFFFFFFF0]  }
0x150: {  	v15 =	vsel vm14, v18, v15;
	v18 =	vld [tilespmem:s31+$0x0];
	v20 =	vadd.f32 v20, v16  }
0x151: {  	s5 =	simm.s32 $0x1A70;
	v23 =	vbroadcast v19, $0xF;
	v17 =	vld [tilespmem:s30+$0x0];
	v22 =	vmov s3  }
0x152: {  	s6 =	simm.s32 $0x3A70;
	v19 =	vld [tilespmem:s5+$0xFFFFFF90];
	vm15 =	veq.s32 v22, v14;
	v24 =	vmul.f32 v27, v25  }
0x153: {  	v26 =	vld [tilespmem:s6+$0xFFFFFFA0];
	v14 =	vsel vm15, v23, v15  }
0x154: {  	s8 =	simm.s32 $0x0;
	v22 =	vld [tilespmem:s6+$0xFFFFFF90];
	v16 =	vimm.f32 $0.0e+00;
	v25 =	vmul.f32 v63, v21;
	v24 =	vadd.f32 v24, v20;
	v20, _, _ =	vpop (xrf2)  }
0x155: {  	s7 =	simm.s32 $0x3;
	s4 =	simm.s32 $0x1;
	s3 =	simm.s32 $0x2;
	v15 =	vlaneseq.u32;
	v23 =	vld [tilespmem:s5+$0xFFFFFFA0];
	v21 =	vmov s8;
	v20 =	vbroadcast v20, $0xF  }
.LBB2_7:
0x156: {  	p0 =	sne.s32 s7, $0xF;
	v27 =	vld [tilespmem:s5+$0xFFFFFFB0];
	v24 =	vadd.f32 v25, v24;
	v17 =	vmul.f32 v18, v17;
	vm0 =	veq.s32 v21, v15  }
0x157: {  	v18 =	vld [tilespmem:s6+$0xFFFFFFB0];
	v16 =	vsel vm0, v20, v16  }
0x158: {  	v20 =	vld [tilespmem:s5+$0xFFFFFFC0];
	v17 =	vadd.f32 v17, v24  }
0x159: {  	v21 =	vld [tilespmem:s6+$0xFFFFFFC0]  }
0x15a: {  	v19 =	vmul.f32 v22, v19;
	v22 =	vmul.f32 v26, v23;
	v23 =	vld [tilespmem:s5+$0xFFFFFFD0];
	(xrf2) =	vadd.scan.msk.f32 $0xffff, v17  }
0x15b: {  	v17 =	vld [tilespmem:s6+$0xFFFFFFD0]  }
0x15c: {  	v19 =	vadd.f32 v22, v19;
	v18 =	vmul.f32 v18, v27;
	v22 =	vld [tilespmem:s5+$0xFFFFFFE0]  }
0x15d: {  	v24 =	vld [tilespmem:s6+$0xFFFFFFE0]  }
0x15e: {  	v18 =	vadd.f32 v18, v19;
	v19 =	vmul.f32 v21, v20;
	v20 =	vld [tilespmem:s5+$0xFFFFFFF0]  }
0x15f: {  	v21 =	vld [tilespmem:s6+$0xFFFFFFF0]  }
0x160: {  	v25 =	vadd.f32 v19, v18;
	v23 =	vmul.f32 v17, v23;
	v17 =	vld [tilespmem:s5+$0x0]  }
.Ltmp3:
0x161: {  	s5 =	sadd.s32 $0x80, s5;
	v18 =	vld [tilespmem:s6+$0x0];
	(pc) =	sbr.rel @p0 .LBB2_7-.Ltmp3, $4  }
0x162: {  	s6 =	sadd.s32 $0x80, s6;
	v19 =	vld [tilespmem:s5+$0xFFFFFF90];
	v25 =	vadd.f32 v23, v25;
	v24 =	vmul.f32 v24, v22  }
0x163: {  	v22 =	vld [tilespmem:s6+$0xFFFFFF90]  }
0x164: {  	v23 =	vld [tilespmem:s5+$0xFFFFFFA0];
	v24 =	vadd.f32 v24, v25;
	v25 =	vmul.f32 v21, v20;
	v20, _, _ =	vpop (xrf2)  }
0x165: {  	v21 =	vmov s4;
	s4 =	smov.u32 s3;
	s3 =	smov.u32 s7;
	s7 =	sadd.s32 $0x1, s7;
	v26 =	vld [tilespmem:s6+$0xFFFFFFA0];
	v20 =	vbroadcast v20, $0xF  }
0x166: {  	v27 =	vld [tilespmem:s5+$0xFFFFFFB0]  }
0x167: {  	v28 =	vld [tilespmem:s6+$0xFFFFFFB0]  }
0x168: {  	v29 =	vld [tilespmem:s5+$0xFFFFFFC0]  }
0x169: {  	v30 =	vld [tilespmem:s6+$0xFFFFFFC0]  }
0x16a: {  	v56 =	vld [tilespmem:s5+$0xFFFFFFD0];
	v19 =	vmul.f32 v22, v19;
	v55 =	vmul.f32 v26, v23  }
0x16b: {  	v57 =	vld [tilespmem:s6+$0xFFFFFFD0]  }
0x16c: {  	v59 =	vld [tilespmem:s5+$0xFFFFFFE0];
	v58 =	vmul.f32 v28, v27;
	v19 =	vadd.f32 v55, v19  }
0x16d: {  	v60 =	vld [tilespmem:s6+$0xFFFFFFE0]  }
0x16e: {  	v62 =	vld [tilespmem:s5+$0xFFFFFFF0];
	v61 =	vmul.f32 v30, v29;
	v19 =	vadd.f32 v58, v19  }
0x16f: {  	v63 =	vld [tilespmem:s6+$0xFFFFFFF0]  }
0x170: {  	v33 =	vld [tilespmem:s5+$0x0];
	v32 =	vmul.f32 v57, v56;
	v19 =	vadd.f32 v61, v19  }
0x171: {  	v34 =	vld [tilespmem:s6+$0x0]  }
0x172: {  	v36 =	vmul.f32 v60, v59;
	v35 =	vadd.f32 v32, v19  }
0x173: {  	v24 =	vadd.f32 v25, v24  }
0x174: {  	v17 =	vmul.f32 v18, v17;
	v37 =	vmul.f32 v63, v62;
	v18 =	vadd.f32 v36, v35;
	_ =	sdelay $0x1  }
0x175: {  	v17 =	vadd.f32 v17, v24;
	v39 =	vmul.f32 v34, v33;
	v38 =	vadd.f32 v37, v18;
	_ =	sdelay $0x1  }
0x176: {  	(xrf2) =	vadd.scan.msk.f32 $0xffff, v17;
	v17 =	vadd.f32 v39, v38;
	_ =	sdelay $0x1  }
0x177: {  	(xrf2) =	vadd.scan.msk.f32 $0xffff, v17;
	_ =	sdelay $0x2  }
0x178: {  	v3 =	vsub.f32 v4, v3;
	vm0 =	veq.s32 v21, v15;
	v8 =	vsub.f32 v9, v8  }
0x179: {  	v41 =	vmov s4;
	v1 =	vadd.f32 v2, v1;
	v50 =	vadd.f32 $0.0e+00, v0  }
0x17a: {  	v44 =	vmov s3;
	v13 =	vsub.f32 v14, v13;
	v6 =	vadd.f32 v7, v6  }
0x17b: {  	v45 =	vld [tilespmem:$0x4230];
	v16 =	vsel vm0, v20, v16;
	vm14 =	veq.s32 v41, v15;
	v42 =	vmul.f32 v3, v0  }
0x17c: {  	v49 =	vld [tilespmem:$0x42B0];
	vm15 =	veq.s32 v44, v15;
	v48 =	vmul.f32 v8, v5;
	v0 =	vadd.f32 v5, v50  }
0x17d: {  	v54 =	vld [tilespmem:$0x4130];
	v51 =	vadd.f32 $0.0e+00, v1;
	v1 =	vmul.f32 v1, v1;
	v3 =	vmul.f32 v42, v3;
	v40, _, _ =	vpop (xrf2)  }
0x17e: {  	v47 =	vadd.f32 $0.0e+00, v42;
	v0 =	vadd.f32 v10, v0;
	v56 =	vld [tilespmem:$0x41B0];
	v17 =	vbroadcast v40, $0xF  }
0x17f: {  	v53 =	vmul.f32 v13, v10;
	v59 =	vadd.f32 v12, v11;
	v46 =	vadd.f32 $0.0e+00, v3;
	v43, _, _ =	vpop (xrf2)  }
0x180: {  	v55 =	vmul.f32 v6, v6;
	v16 =	vsel vm14, v17, v16;
	v17 =	vbroadcast v43, $0xF  }
0x181: {  	v52 =	vmul.f32 v48, v8;
	v3 =	vadd.f32 v48, v47;
	v6 =	vadd.f32 v6, v51  }
0x182: {  	v0 =	vadd.f32 v49, v0;
	v1 =	vadd.f32 v55, v1;
	v16 =	vsel vm15, v17, v16  }
0x183: {  	v61 =	vmul.f32 v59, v59;
	v7 =	vadd.f32 v56, v54;
	v9 =	vsub.f32 v16, v45  }
0x184: {  	v57 =	vmul.f32 v53, v13;
	v2 =	vadd.f32 v52, v46;
	v4 =	vadd.f32 v59, v6  }
0x185: {  	v1 =	vadd.f32 v61, v1;
	v62 =	vmul.f32 v7, v7;
	v58 =	vmul.f32 v9, v49  }
0x186: {  	v3 =	vadd.f32 v53, v3;
	v63 =	vadd.f32 v7, v4  }
0x187: {  	[tilespmem:$0x4400] =	vst v0;
	v2 =	vadd.f32 v57, v2;
	v1 =	vadd.f32 v62, v1;
	v60 =	vmul.f32 v58, v9  }
0x188: {  	[tilespmem:$0x4480] =	vst v63;
	v3 =	vadd.f32 v58, v3  }
0x189: {  	[tilespmem:$0x4500] =	vst v1;
	v2 =	vadd.f32 v60, v2  }
0x18a: {  	s28 =	sshll.u32 s1, $0x7;
	s29 =	simm.s32 $0x0;
	[tilespmem:$0x4380] =	vst v3  }
0x18b: {  	s30 =	simm.s32 $0x4300;
	s31 =	simm.s32 $0x7;
	s2 =	sadd.s32 s2, s28;
	[tilespmem:$0x4300] =	vst v2  }
0x18c: {  	[hbm4b:s2+s29] =	stream.linear.scatter [tilespmem:s30], [sflag:$0x7], $0x280, $0x38;
	[tilespmem:$0x4700] =	vst v63  }
0x18d: {  	_ =	swait.ge [sflag:s31], $0x280  }
0x18e: {  	[sflag:s31] =	ssyncset.done $0x0  }
0x18f: {  	[sflag:s31] =	ssyncadd.s32 $0xFFFFFD80  }
0x190: {  	_ =	sfence.sel $0x180000  }
0x191: {  	[bflag:$0x0] =	sbarrier.arrive $0xFFFF  }
0x192: {  	p0 =	sne.s32 s1, $0x0;
	_ =	strace $0x90000047  }
0x193: {  	s0 =	sadd.s32 @!p0 $0x100000, s0;
	[bflag:$0x2] =	sbarrier.arrive $0xFFFF  }
0x194: {  	[sflag:s0] =	ssyncadd.tile.s32 @!p0 $0x1;
	_ =	shalt  }
.Lfunc_end2:
_tile_overlayer_lowered:
.L_overlay_start_2:
0x195: {  	(tag) =	ssettag $0x2  }
0x196: {  	s0 =	rddreg [dreg:$0x0];
	s2 =	stileid.u32  }
0x197: {  	s1 =	rddreg [dreg:$0x1];
	p0 =	sne.s32 s2, $0x0  }
0x198: {  	s3 =	rddreg [dreg:$0x2];
	[bflag:$0x3] =	sbarrier.arrive $0xFFFF;
	s2 =	simm.s32 @!p0 $0x1C07  }
0x199: {  	[timem:s3], [sflag:s2] =	dma.local @!p0 [hbm:s0], s1  }
0x19a: {  	s0 =	simm.s32 @!p0 $0x7  }
0x19b: {  	_ =	swait.ge @!p0 [sflag:s0], s1  }
0x19c: {  	s1 =	ssub.s32 @!p0 $0x0, s1;
	[sflag:s0] =	ssyncset.done @!p0 $0x0  }
0x19d: {  	[sflag:s0] =	ssyncadd.s32 @!p0 s1  }
0x19e: {  	[bflag:$0x3] =	sbarrier.arrive $0xFFFF  }
0x19f: {  	_ =	shalt  }

</sc_bundles>
